<compile_context>
chip_gen: v7x
topology: tpu7x:2x2x1
jax: 0.10.2.dev20260603
libtpu: 0.0.44.dev20260713+nightly
codegen_flags: <defaults>
</compile_context>

<pallas_src>
import functools

import jax
import jax.numpy as jnp
from jax import lax
from jax.experimental import pallas as pl
from jax.experimental.pallas import tpu as pltpu
from jax.experimental.pallas import tpu_sc as plsc

E = 1_600_000
PER = 32
D = 3 * PER
NC, NS = 2, 16
NW = NC * NS
B_PER_W = E // NW
CHUNK = 400
GSUB = 80
N_CHUNK = B_PER_W // CHUNK


def _build_fused_table(aromatic_table, conjugated_table, stereo_table):

    def body(a_ref, c_ref, s_ref, o_ref):
        k = lax.broadcasted_iota(jnp.int32, (64, 1), 0)
        ia = k // 21
        ic = (k // 7) % 3
        iz = k % 7
        a_emb = jnp.zeros((64, PER), jnp.float32)
        c_emb = jnp.zeros((64, PER), jnp.float32)
        s_emb = jnp.zeros((64, PER), jnp.float32)
        for r in range(3):
            a_emb = a_emb + jnp.where(ia == r, 1.0, 0.0) * a_ref[r, :][None, :]
            c_emb = c_emb + jnp.where(ic == r, 1.0, 0.0) * c_ref[r, :][None, :]
        for r in range(7):
            s_emb = s_emb + jnp.where(iz == r, 1.0, 0.0) * s_ref[r, :][None, :]
        pad = jnp.zeros((64, 128 - D), jnp.float32)
        o_ref[...] = jnp.concatenate([a_emb, c_emb, s_emb, pad], axis=1)

    return pl.pallas_call(
        body,
        out_shape=jax.ShapeDtypeStruct((64, 128), jnp.float32),
    )(aromatic_table, conjugated_table, stereo_table)


_SC_MESH = plsc.VectorSubcoreMesh(core_axis_name="c", subcore_axis_name="s")


@functools.partial(
    pl.kernel,
    out_type=jax.ShapeDtypeStruct((E, 128), jnp.float32),
    mesh=_SC_MESH,
    scratch_types=[
        pltpu.VMEM((CHUNK,), jnp.int32), pltpu.VMEM((CHUNK,), jnp.int32),
        pltpu.VMEM((CHUNK,), jnp.int32), pltpu.VMEM((CHUNK,), jnp.int32),
        pltpu.VMEM((CHUNK,), jnp.int32), pltpu.VMEM((CHUNK,), jnp.int32),
        pltpu.VMEM((CHUNK,), jnp.int32), pltpu.VMEM((CHUNK,), jnp.int32),
        pltpu.VMEM((CHUNK, 128), jnp.float32), pltpu.VMEM((CHUNK, 128), jnp.float32),
        pltpu.VMEM_SHARED((64, 128), jnp.float32),
        pltpu.SemaphoreType.DMA, pltpu.SemaphoreType.DMA,
        pltpu.SemaphoreType.DMA, pltpu.SemaphoreType.DMA,
        pltpu.SemaphoreType.DMA, pltpu.SemaphoreType.DMA,
    ],
)
def _sc_embed(a_hbm, c_hbm, s_hbm, fused_hbm, out_hbm,
              a0, c0, s0, k0, a1, c1, s1, k1, r0, r1, fused_v,
              si0, si1, sg0, sg1, so0, so1):
    wid = lax.axis_index("s") * NC + lax.axis_index("c")
    base_w = wid * B_PER_W
    bufs = ((a0, c0, s0, k0, r0, si0, sg0, so0),
            (a1, c1, s1, k1, r1, si1, sg1, so1))

    @pl.when(lax.axis_index("s") == 0)
    def _stage_table():
        pltpu.sync_copy(fused_hbm, fused_v)

    plsc.subcore_barrier()

    def start_idx(ii, b):
        a_v, c_v, s_v = bufs[b][0], bufs[b][1], bufs[b][2]
        si = bufs[b][5]
        base = base_w + ii * CHUNK
        pltpu.async_copy(a_hbm.at[pl.ds(base, CHUNK)], a_v, si)
        pltpu.async_copy(c_hbm.at[pl.ds(base, CHUNK)], c_v, si)
        pltpu.async_copy(s_hbm.at[pl.ds(base, CHUNK)], s_v, si)

    def wait_idx(ii, b):
        a_v, c_v, s_v = bufs[b][0], bufs[b][1], bufs[b][2]
        si = bufs[b][5]
        base = base_w + ii * CHUNK
        pltpu.make_async_copy(a_hbm.at[pl.ds(base, CHUNK)], a_v, si).wait()
        pltpu.make_async_copy(c_hbm.at[pl.ds(base, CHUNK)], c_v, si).wait()
        pltpu.make_async_copy(s_hbm.at[pl.ds(base, CHUNK)], s_v, si).wait()

    def wait_out(ii, b):
        rows_v, so = bufs[b][4], bufs[b][7]
        base = base_w + ii * CHUNK
        pltpu.make_async_copy(rows_v, out_hbm.at[pl.ds(base, CHUNK)], so).wait()

    def process(ii, b, first_round):
        a_v, c_v, s_v, comb_v, rows_v, si, sg, so = bufs[b]
        base = base_w + ii * CHUNK
        wait_idx(ii, b)

        @pl.loop(0, CHUNK, step=16)
        def _combine(j):
            sl = pl.ds(j, 16)
            comb_v[sl] = a_v[sl] * 21 + c_v[sl] * 7 + s_v[sl]

        if not first_round:
            wait_out(ii - 2, b)
        gathers = [
            pltpu.async_copy(
                fused_v.at[comb_v.at[pl.ds(g * GSUB, GSUB)]],
                rows_v.at[pl.ds(g * GSUB, GSUB)],
                sg,
            )
            for g in range(CHUNK // GSUB)
        ]
        for cp in gathers:
            cp.wait()
        pltpu.async_copy(rows_v, out_hbm.at[pl.ds(base, CHUNK)], so)

    start_idx(0, 0)
    start_idx(1, 1)
    process(0, 0, True)
    start_idx(2, 0)
    process(1, 1, True)
    start_idx(3, 1)

    @pl.loop(1, (N_CHUNK - 1) // 2)
    def _pair(p):
        for b in (0, 1):
            ii = 2 * p + b
            process(ii, b, False)

            @pl.when(ii + 2 < N_CHUNK)
            def _prefetch():
                start_idx(ii + 2, b)

    process(N_CHUNK - 1, 0, False)
    wait_out(N_CHUNK - 2, 1)
    wait_out(N_CHUNK - 1, 0)


def kernel(prop_bond_aromatic, prop_bond_conjugated, prop_bond_stereo,
           aromatic_table, conjugated_table, stereo_table):
    fused = _build_fused_table(aromatic_table, conjugated_table, stereo_table)
    out_pad = _sc_embed(
        prop_bond_aromatic.astype(jnp.int32),
        prop_bond_conjugated.astype(jnp.int32),
        prop_bond_stereo.astype(jnp.int32),
        fused,
    )
    return out_pad[:, :D]

# --- scband reference (transcript-rebuilt; emitter-appended) ---
"""Pipeline reference for scband-bond-property-embedder-7610682048730 (READ-ONLY COPY).

The authoritative reference and input builder live on the scoring server;
editing this copy changes nothing except your own understanding.
"""

import jax, jax.numpy as jnp
import numpy as np

E = 1600000
PER_PROP = 32  # embedding_size=96 // 3
NUM_STEREO = 6  # len(StereoType.values); table has NUM_STEREO+1 rows


def setup_inputs(seed: int = 0) -> dict:
    key = jax.random.key(seed)
    k1, k2, k3, k4, k5, k6 = jax.random.split(key, 6)
    prop_bond_aromatic = jax.random.randint(k1, (E,), 0, 3)
    prop_bond_conjugated = jax.random.randint(k2, (E,), 0, 3)
    prop_bond_stereo = jax.random.randint(k3, (E,), 0, NUM_STEREO + 1)
    # learned embedding tables; padding_idx=0 -> row 0 is zeros
    aromatic_table = jax.random.normal(k4, (3, PER_PROP), dtype=jnp.float32) * 0.02
    aromatic_table = aromatic_table.at[0].set(0.0)
    conjugated_table = jax.random.normal(k5, (3, PER_PROP), dtype=jnp.float32) * 0.02
    conjugated_table = conjugated_table.at[0].set(0.0)
    stereo_table = jax.random.normal(k6, (NUM_STEREO + 1, PER_PROP), dtype=jnp.float32) * 0.02
    stereo_table = stereo_table.at[0].set(0.0)
    return {
        "prop_bond_aromatic": prop_bond_aromatic,
        "prop_bond_conjugated": prop_bond_conjugated,
        "prop_bond_stereo": prop_bond_stereo,
        "aromatic_table": aromatic_table,
        "conjugated_table": conjugated_table,
        "stereo_table": stereo_table,
    }


def reference(prop_bond_aromatic, prop_bond_conjugated, prop_bond_stereo,
              aromatic_table, conjugated_table, stereo_table):
    aromatic_embeds = jnp.take(aromatic_table, prop_bond_aromatic, axis=0)
    conjugated_embeds = jnp.take(conjugated_table, prop_bond_conjugated, axis=0)
    stereo_embeds = jnp.take(stereo_table, prop_bond_stereo, axis=0)
    prop_embedding = jnp.concatenate([aromatic_embeds, conjugated_embeds, stereo_embeds], axis=-1)
    return prop_embedding

if __name__ == "__main__":
    import jax
    _d = setup_inputs()
    print(jax.jit(kernel)(*tuple(_d.values())))

</pallas_src>

<mosaic_0001>
#map = affine_map<(d0, d1) -> (0)>
#map1 = affine_map<(d0, d1) -> (0, 0)>
module attributes {stable_mosaic.version = 14 : i64} {
  func.func @_sc_embed(%arg0: i32, %arg1: i32, %arg2: memref<1600000xi32, #tpu.memory_space<hbm>>, %arg3: memref<1600000xi32, #tpu.memory_space<hbm>>, %arg4: memref<1600000xi32, #tpu.memory_space<hbm>>, %arg5: memref<64x128xf32, #tpu.memory_space<hbm>>, %arg6: memref<1600000x128xf32, #tpu.memory_space<hbm>>, %arg7: memref<400xi32, #tpu.memory_space<vmem>>, %arg8: memref<400xi32, #tpu.memory_space<vmem>>, %arg9: memref<400xi32, #tpu.memory_space<vmem>>, %arg10: memref<400xi32, #tpu.memory_space<vmem>>, %arg11: memref<400xi32, #tpu.memory_space<vmem>>, %arg12: memref<400xi32, #tpu.memory_space<vmem>>, %arg13: memref<400xi32, #tpu.memory_space<vmem>>, %arg14: memref<400xi32, #tpu.memory_space<vmem>>, %arg15: memref<400x128xf32, #tpu.memory_space<vmem>>, %arg16: memref<400x128xf32, #tpu.memory_space<vmem>>, %arg17: memref<64x128xf32, #tpu.memory_space<vmem_shared>>, %arg18: memref<!tpu.dma_semaphore, #tpu.memory_space<semaphore_mem>>, %arg19: memref<!tpu.dma_semaphore, #tpu.memory_space<semaphore_mem>>, %arg20: memref<!tpu.dma_semaphore, #tpu.memory_space<semaphore_mem>>, %arg21: memref<!tpu.dma_semaphore, #tpu.memory_space<semaphore_mem>>, %arg22: memref<!tpu.dma_semaphore, #tpu.memory_space<semaphore_mem>>, %arg23: memref<!tpu.dma_semaphore, #tpu.memory_space<semaphore_mem>>) attributes {dimension_semantics = [#tpu.dimension_semantics<core_parallel>, #tpu.dimension_semantics<subcore_parallel>], iteration_bounds = array<i64: 2, 16>, scalar_prefetch = 0 : i64, scratch_operands = 17 : i64, tpu.core_type = #tpu.core_type<sc_vector_subcore>, window_params = [{transform_indices = #map}, {transform_indices = #map}, {transform_indices = #map}, {transform_indices = #map1}, {transform_indices = #map1}]} {
    %mul3A = arith.constant 2 : i32
    %mul3A_0 = arith.muli %arg1, %mul3A : i32
    %add3A = arith.addi %mul3A_0, %arg0 : i32
    %mul3A_1 = arith.constant 50000 : i32
    %mul3A_2 = arith.muli %add3A, %mul3A_1 : i32
    %eq3A = arith.constant 0 : i32
    %eq3A_3 = arith.cmpi eq, %arg1, %eq3A : i32
    %convert_element_type3A = arith.extui %eq3A_3 : i1 to i32
    %cond3A = arith.constant 0 : i32
    %cond3A_4 = arith.cmpi ne, %convert_element_type3A, %cond3A : i32
    scf.if %cond3A_4 {
      "tpu.region"() ({
        %run_scoped3A = tpu.sem_alloc : memref<!tpu.dma_semaphore, #tpu.memory_space<semaphore_mem>>
        tpu.enqueue_dma source(%arg5 : memref<64x128xf32, #tpu.memory_space<hbm>>) target(%arg17 : memref<64x128xf32, #tpu.memory_space<vmem_shared>>) target_semaphore(%run_scoped3A : memref<!tpu.dma_semaphore, #tpu.memory_space<semaphore_mem>>)
        tpu.wait_dma2 semaphore(%run_scoped3A : memref<!tpu.dma_semaphore, #tpu.memory_space<semaphore_mem>>) src(%arg5 : memref<64x128xf32, #tpu.memory_space<hbm>>) dst(%arg17 : memref<64x128xf32, #tpu.memory_space<vmem_shared>>)
        tpu.yield
      }) : () -> ()
    } else {
    }
    %barrier3A = arith.constant 0 : index
    tpu.barrier barrier_id(%barrier3A)
    %add3A_5 = arith.constant 0 : i32
    %add3A_6 = arith.addi %mul3A_2, %add3A_5 : i32
    %dma_start3A = tpu.memref_slice %arg2[%add3A_6] : memref<1600000xi32, #tpu.memory_space<hbm>> -> memref<400xi32, #tpu.memory_space<hbm>>
    %dma_start3A_7 = tpu.memref_slice %arg2[%add3A_6] : memref<1600000xi32, #tpu.memory_space<hbm>> -> memref<400xi32, #tpu.memory_space<hbm>>
    tpu.enqueue_dma source(%dma_start3A_7 : memref<400xi32, #tpu.memory_space<hbm>>) target(%arg7 : memref<400xi32, #tpu.memory_space<vmem>>) target_semaphore(%arg18 : memref<!tpu.dma_semaphore, #tpu.memory_space<semaphore_mem>>)
    %dma_start3A_8 = tpu.memref_slice %arg3[%add3A_6] : memref<1600000xi32, #tpu.memory_space<hbm>> -> memref<400xi32, #tpu.memory_space<hbm>>
    %dma_start3A_9 = tpu.memref_slice %arg3[%add3A_6] : memref<1600000xi32, #tpu.memory_space<hbm>> -> memref<400xi32, #tpu.memory_space<hbm>>
    tpu.enqueue_dma source(%dma_start3A_9 : memref<400xi32, #tpu.memory_space<hbm>>) target(%arg8 : memref<400xi32, #tpu.memory_space<vmem>>) target_semaphore(%arg18 : memref<!tpu.dma_semaphore, #tpu.memory_space<semaphore_mem>>)
    %dma_start3A_10 = tpu.memref_slice %arg4[%add3A_6] : memref<1600000xi32, #tpu.memory_space<hbm>> -> memref<400xi32, #tpu.memory_space<hbm>>
    %dma_start3A_11 = tpu.memref_slice %arg4[%add3A_6] : memref<1600000xi32, #tpu.memory_space<hbm>> -> memref<400xi32, #tpu.memory_space<hbm>>
    tpu.enqueue_dma source(%dma_start3A_11 : memref<400xi32, #tpu.memory_space<hbm>>) target(%arg9 : memref<400xi32, #tpu.memory_space<vmem>>) target_semaphore(%arg18 : memref<!tpu.dma_semaphore, #tpu.memory_space<semaphore_mem>>)
    %add3A_12 = arith.constant 400 : i32
    %add3A_13 = arith.addi %mul3A_2, %add3A_12 : i32
    %dma_start3A_14 = tpu.memref_slice %arg2[%add3A_13] : memref<1600000xi32, #tpu.memory_space<hbm>> -> memref<400xi32, #tpu.memory_space<hbm>>
    %dma_start3A_15 = tpu.memref_slice %arg2[%add3A_13] : memref<1600000xi32, #tpu.memory_space<hbm>> -> memref<400xi32, #tpu.memory_space<hbm>>
    tpu.enqueue_dma source(%dma_start3A_15 : memref<400xi32, #tpu.memory_space<hbm>>) target(%arg11 : memref<400xi32, #tpu.memory_space<vmem>>) target_semaphore(%arg19 : memref<!tpu.dma_semaphore, #tpu.memory_space<semaphore_mem>>)
    %dma_start3A_16 = tpu.memref_slice %arg3[%add3A_13] : memref<1600000xi32, #tpu.memory_space<hbm>> -> memref<400xi32, #tpu.memory_space<hbm>>
    %dma_start3A_17 = tpu.memref_slice %arg3[%add3A_13] : memref<1600000xi32, #tpu.memory_space<hbm>> -> memref<400xi32, #tpu.memory_space<hbm>>
    tpu.enqueue_dma source(%dma_start3A_17 : memref<400xi32, #tpu.memory_space<hbm>>) target(%arg12 : memref<400xi32, #tpu.memory_space<vmem>>) target_semaphore(%arg19 : memref<!tpu.dma_semaphore, #tpu.memory_space<semaphore_mem>>)
    %dma_start3A_18 = tpu.memref_slice %arg4[%add3A_13] : memref<1600000xi32, #tpu.memory_space<hbm>> -> memref<400xi32, #tpu.memory_space<hbm>>
    %dma_start3A_19 = tpu.memref_slice %arg4[%add3A_13] : memref<1600000xi32, #tpu.memory_space<hbm>> -> memref<400xi32, #tpu.memory_space<hbm>>
    tpu.enqueue_dma source(%dma_start3A_19 : memref<400xi32, #tpu.memory_space<hbm>>) target(%arg13 : memref<400xi32, #tpu.memory_space<vmem>>) target_semaphore(%arg19 : memref<!tpu.dma_semaphore, #tpu.memory_space<semaphore_mem>>)
    %add3A_20 = arith.constant 0 : i32
    %add3A_21 = arith.addi %mul3A_2, %add3A_20 : i32
    %add3A_22 = arith.constant 0 : i32
    %add3A_23 = arith.addi %mul3A_2, %add3A_22 : i32
    %dma_wait3A = tpu.memref_slice %arg2[%add3A_23] : memref<1600000xi32, #tpu.memory_space<hbm>> -> memref<400xi32, #tpu.memory_space<hbm>>
    %dma_wait3A_24 = tpu.memref_slice %arg2[%add3A_23] : memref<1600000xi32, #tpu.memory_space<hbm>> -> memref<400xi32, #tpu.memory_space<hbm>>
    tpu.wait_dma2 semaphore(%arg18 : memref<!tpu.dma_semaphore, #tpu.memory_space<semaphore_mem>>) src(%dma_wait3A_24 : memref<400xi32, #tpu.memory_space<hbm>>) dst(%arg7 : memref<400xi32, #tpu.memory_space<vmem>>)
    %dma_wait3A_25 = tpu.memref_slice %arg3[%add3A_23] : memref<1600000xi32, #tpu.memory_space<hbm>> -> memref<400xi32, #tpu.memory_space<hbm>>
    %dma_wait3A_26 = tpu.memref_slice %arg3[%add3A_23] : memref<1600000xi32, #tpu.memory_space<hbm>> -> memref<400xi32, #tpu.memory_space<hbm>>
    tpu.wait_dma2 semaphore(%arg18 : memref<!tpu.dma_semaphore, #tpu.memory_space<semaphore_mem>>) src(%dma_wait3A_26 : memref<400xi32, #tpu.memory_space<hbm>>) dst(%arg8 : memref<400xi32, #tpu.memory_space<vmem>>)
    %dma_wait3A_27 = tpu.memref_slice %arg4[%add3A_23] : memref<1600000xi32, #tpu.memory_space<hbm>> -> memref<400xi32, #tpu.memory_space<hbm>>
    %dma_wait3A_28 = tpu.memref_slice %arg4[%add3A_23] : memref<1600000xi32, #tpu.memory_space<hbm>> -> memref<400xi32, #tpu.memory_space<hbm>>
    tpu.wait_dma2 semaphore(%arg18 : memref<!tpu.dma_semaphore, #tpu.memory_space<semaphore_mem>>) src(%dma_wait3A_28 : memref<400xi32, #tpu.memory_space<hbm>>) dst(%arg9 : memref<400xi32, #tpu.memory_space<vmem>>)
    %scan3A = arith.constant 0 : i32
    %scan3A_29 = arith.constant 25 : i32
    %scan3A_30 = arith.addi %scan3A, %scan3A_29 : i32
    %scan3A_31 = arith.constant 1 : i32
    scf.for %scan3A_354 = %scan3A to %scan3A_30 step %scan3A_31  : i32 {
      %mul3A_355 = arith.constant 16 : i32
      %mul3A_356 = arith.muli %scan3A_354, %mul3A_355 : i32
      %add3A_357 = arith.constant 0 : i32
      %add3A_358 = arith.addi %add3A_357, %mul3A_356 : i32
      %get3A = arith.index_cast %add3A_358 : i32 to index
      %get3A_359 = tpu.vector_load %arg7[%get3A] {strides = array<i32>} : memref<400xi32, #tpu.memory_space<vmem>>, vector<16xi32>,
      %get3A_360 = vector.shape_cast %get3A_359 : vector<16xi32> to vector<16xi32>
      %mul3A_361 = arith.constant 21 : i32
      %mul3A_362 = vector.broadcast %mul3A_361 : i32 to vector<16xi32>
      %mul3A_363 = arith.muli %get3A_360, %mul3A_362 : vector<16xi32>
      %get3A_364 = arith.index_cast %add3A_358 : i32 to index
      %get3A_365 = tpu.vector_load %arg8[%get3A_364] {strides = array<i32>} : memref<400xi32, #tpu.memory_space<vmem>>, vector<16xi32>,
      %get3A_366 = vector.shape_cast %get3A_365 : vector<16xi32> to vector<16xi32>
      %mul3A_367 = arith.constant 7 : i32
      %mul3A_368 = vector.broadcast %mul3A_367 : i32 to vector<16xi32>
      %mul3A_369 = arith.muli %get3A_366, %mul3A_368 : vector<16xi32>
      %add3A_370 = arith.addi %mul3A_363, %mul3A_369 : vector<16xi32>
      %get3A_371 = arith.index_cast %add3A_358 : i32 to index
      %get3A_372 = tpu.vector_load %arg9[%get3A_371] {strides = array<i32>} : memref<400xi32, #tpu.memory_space<vmem>>, vector<16xi32>,
      %get3A_373 = vector.shape_cast %get3A_372 : vector<16xi32> to vector<16xi32>
      %add3A_374 = arith.addi %add3A_370, %get3A_373 : vector<16xi32>
      %swap3A = arith.index_cast %add3A_358 : i32 to index
      %swap3A_375 = tpu.vector_load %arg10[%swap3A] {strides = array<i32>} : memref<400xi32, #tpu.memory_space<vmem>>, vector<16xi32>,
      %swap3A_376 = vector.shape_cast %swap3A_375 : vector<16xi32> to vector<16xi32>
      %swap3A_377 = vector.shape_cast %add3A_374 : vector<16xi32> to vector<16xi32>
      tpu.vector_store %arg10[%swap3A], %swap3A_377 {strides = array<i32>} : memref<400xi32, #tpu.memory_space<vmem>>, vector<16xi32>,
    }
    %scan3A_32 = arith.constant 25 : i32
    %dma_start3A_33 = arith.constant 0 : i32
    %dma_start3A_34 = arith.constant 0 : i32
    %dma_start3A_35 = tpu.memref_slice %arg15[%dma_start3A_33, %dma_start3A_34] : memref<400x128xf32, #tpu.memory_space<vmem>> -> memref<80x128xf32, #tpu.memory_space<vmem>>
    %dma_start3A_36 = arith.constant 0 : i32
    %dma_start3A_37 = tpu.memref_slice %arg10[%dma_start3A_36] : memref<400xi32, #tpu.memory_space<vmem>> -> memref<80xi32, #tpu.memory_space<vmem>>
    %dma_start3A_38 = arith.constant 0 : i32
    %dma_start3A_39 = arith.constant 0 : i32
    %dma_start3A_40 = tpu.memref_slice %arg17[%dma_start3A_38, %dma_start3A_39] : memref<64x128xf32, #tpu.memory_space<vmem_shared>> -> memref<64x128xf32, #tpu.memory_space<vmem_shared>>
    tpu.enqueue_indirect_dma source(%dma_start3A_40 : memref<64x128xf32, #tpu.memory_space<vmem_shared>>) target(%dma_start3A_35 : memref<80x128xf32, #tpu.memory_space<vmem>>) offsets(%dma_start3A_37 : memref<80xi32, #tpu.memory_space<vmem>>) semaphore(%arg20 : memref<!tpu.dma_semaphore, #tpu.memory_space<semaphore_mem>>)
    %dma_start3A_41 = arith.constant 80 : i32
    %dma_start3A_42 = arith.constant 0 : i32
    %dma_start3A_43 = tpu.memref_slice %arg15[%dma_start3A_41, %dma_start3A_42] : memref<400x128xf32, #tpu.memory_space<vmem>> -> memref<80x128xf32, #tpu.memory_space<vmem>>
    %dma_start3A_44 = arith.constant 80 : i32
    %dma_start3A_45 = tpu.memref_slice %arg10[%dma_start3A_44] : memref<400xi32, #tpu.memory_space<vmem>> -> memref<80xi32, #tpu.memory_space<vmem>>
    %dma_start3A_46 = arith.constant 0 : i32
    %dma_start3A_47 = arith.constant 0 : i32
    %dma_start3A_48 = tpu.memref_slice %arg17[%dma_start3A_46, %dma_start3A_47] : memref<64x128xf32, #tpu.memory_space<vmem_shared>> -> memref<64x128xf32, #tpu.memory_space<vmem_shared>>
    tpu.enqueue_indirect_dma source(%dma_start3A_48 : memref<64x128xf32, #tpu.memory_space<vmem_shared>>) target(%dma_start3A_43 : memref<80x128xf32, #tpu.memory_space<vmem>>) offsets(%dma_start3A_45 : memref<80xi32, #tpu.memory_space<vmem>>) semaphore(%arg20 : memref<!tpu.dma_semaphore, #tpu.memory_space<semaphore_mem>>)
    %dma_start3A_49 = arith.constant 160 : i32
    %dma_start3A_50 = arith.constant 0 : i32
    %dma_start3A_51 = tpu.memref_slice %arg15[%dma_start3A_49, %dma_start3A_50] : memref<400x128xf32, #tpu.memory_space<vmem>> -> memref<80x128xf32, #tpu.memory_space<vmem>>
    %dma_start3A_52 = arith.constant 160 : i32
    %dma_start3A_53 = tpu.memref_slice %arg10[%dma_start3A_52] : memref<400xi32, #tpu.memory_space<vmem>> -> memref<80xi32, #tpu.memory_space<vmem>>
    %dma_start3A_54 = arith.constant 0 : i32
    %dma_start3A_55 = arith.constant 0 : i32
    %dma_start3A_56 = tpu.memref_slice %arg17[%dma_start3A_54, %dma_start3A_55] : memref<64x128xf32, #tpu.memory_space<vmem_shared>> -> memref<64x128xf32, #tpu.memory_space<vmem_shared>>
    tpu.enqueue_indirect_dma source(%dma_start3A_56 : memref<64x128xf32, #tpu.memory_space<vmem_shared>>) target(%dma_start3A_51 : memref<80x128xf32, #tpu.memory_space<vmem>>) offsets(%dma_start3A_53 : memref<80xi32, #tpu.memory_space<vmem>>) semaphore(%arg20 : memref<!tpu.dma_semaphore, #tpu.memory_space<semaphore_mem>>)
    %dma_start3A_57 = arith.constant 240 : i32
    %dma_start3A_58 = arith.constant 0 : i32
    %dma_start3A_59 = tpu.memref_slice %arg15[%dma_start3A_57, %dma_start3A_58] : memref<400x128xf32, #tpu.memory_space<vmem>> -> memref<80x128xf32, #tpu.memory_space<vmem>>
    %dma_start3A_60 = arith.constant 240 : i32
    %dma_start3A_61 = tpu.memref_slice %arg10[%dma_start3A_60] : memref<400xi32, #tpu.memory_space<vmem>> -> memref<80xi32, #tpu.memory_space<vmem>>
    %dma_start3A_62 = arith.constant 0 : i32
    %dma_start3A_63 = arith.constant 0 : i32
    %dma_start3A_64 = tpu.memref_slice %arg17[%dma_start3A_62, %dma_start3A_63] : memref<64x128xf32, #tpu.memory_space<vmem_shared>> -> memref<64x128xf32, #tpu.memory_space<vmem_shared>>
    tpu.enqueue_indirect_dma source(%dma_start3A_64 : memref<64x128xf32, #tpu.memory_space<vmem_shared>>) target(%dma_start3A_59 : memref<80x128xf32, #tpu.memory_space<vmem>>) offsets(%dma_start3A_61 : memref<80xi32, #tpu.memory_space<vmem>>) semaphore(%arg20 : memref<!tpu.dma_semaphore, #tpu.memory_space<semaphore_mem>>)
    %dma_start3A_65 = arith.constant 320 : i32
    %dma_start3A_66 = arith.constant 0 : i32
    %dma_start3A_67 = tpu.memref_slice %arg15[%dma_start3A_65, %dma_start3A_66] : memref<400x128xf32, #tpu.memory_space<vmem>> -> memref<80x128xf32, #tpu.memory_space<vmem>>
    %dma_start3A_68 = arith.constant 320 : i32
    %dma_start3A_69 = tpu.memref_slice %arg10[%dma_start3A_68] : memref<400xi32, #tpu.memory_space<vmem>> -> memref<80xi32, #tpu.memory_space<vmem>>
    %dma_start3A_70 = arith.constant 0 : i32
    %dma_start3A_71 = arith.constant 0 : i32
    %dma_start3A_72 = tpu.memref_slice %arg17[%dma_start3A_70, %dma_start3A_71] : memref<64x128xf32, #tpu.memory_space<vmem_shared>> -> memref<64x128xf32, #tpu.memory_space<vmem_shared>>
    tpu.enqueue_indirect_dma source(%dma_start3A_72 : memref<64x128xf32, #tpu.memory_space<vmem_shared>>) target(%dma_start3A_67 : memref<80x128xf32, #tpu.memory_space<vmem>>) offsets(%dma_start3A_69 : memref<80xi32, #tpu.memory_space<vmem>>) semaphore(%arg20 : memref<!tpu.dma_semaphore, #tpu.memory_space<semaphore_mem>>)
    %dma_wait3A_73 = arith.constant 0 : i32
    %dma_wait3A_74 = arith.constant 0 : i32
    %dma_wait3A_75 = tpu.memref_slice %arg15[%dma_wait3A_73, %dma_wait3A_74] : memref<400x128xf32, #tpu.memory_space<vmem>> -> memref<80x128xf32, #tpu.memory_space<vmem>>
    %dma_wait3A_76 = arith.constant 0 : i32
    %dma_wait3A_77 = tpu.memref_slice %arg10[%dma_wait3A_76] : memref<400xi32, #tpu.memory_space<vmem>> -> memref<80xi32, #tpu.memory_space<vmem>>
    %dma_wait3A_78 = arith.constant 0 : i32
    %dma_wait3A_79 = arith.constant 0 : i32
    %dma_wait3A_80 = tpu.memref_slice %arg17[%dma_wait3A_78, %dma_wait3A_79] : memref<64x128xf32, #tpu.memory_space<vmem_shared>> -> memref<64x128xf32, #tpu.memory_space<vmem_shared>>
    tpu.wait_indirect_dma semaphore(%arg20 : memref<!tpu.dma_semaphore, #tpu.memory_space<semaphore_mem>>) src(%dma_wait3A_80 : memref<64x128xf32, #tpu.memory_space<vmem_shared>>) dst(%dma_wait3A_75 : memref<80x128xf32, #tpu.memory_space<vmem>>)
    %dma_wait3A_81 = arith.constant 80 : i32
    %dma_wait3A_82 = arith.constant 0 : i32
    %dma_wait3A_83 = tpu.memref_slice %arg15[%dma_wait3A_81, %dma_wait3A_82] : memref<400x128xf32, #tpu.memory_space<vmem>> -> memref<80x128xf32, #tpu.memory_space<vmem>>
    %dma_wait3A_84 = arith.constant 80 : i32
    %dma_wait3A_85 = tpu.memref_slice %arg10[%dma_wait3A_84] : memref<400xi32, #tpu.memory_space<vmem>> -> memref<80xi32, #tpu.memory_space<vmem>>
    %dma_wait3A_86 = arith.constant 0 : i32
    %dma_wait3A_87 = arith.constant 0 : i32
    %dma_wait3A_88 = tpu.memref_slice %arg17[%dma_wait3A_86, %dma_wait3A_87] : memref<64x128xf32, #tpu.memory_space<vmem_shared>> -> memref<64x128xf32, #tpu.memory_space<vmem_shared>>
    tpu.wait_indirect_dma semaphore(%arg20 : memref<!tpu.dma_semaphore, #tpu.memory_space<semaphore_mem>>) src(%dma_wait3A_88 : memref<64x128xf32, #tpu.memory_space<vmem_shared>>) dst(%dma_wait3A_83 : memref<80x128xf32, #tpu.memory_space<vmem>>)
    %dma_wait3A_89 = arith.constant 160 : i32
    %dma_wait3A_90 = arith.constant 0 : i32
    %dma_wait3A_91 = tpu.memref_slice %arg15[%dma_wait3A_89, %dma_wait3A_90] : memref<400x128xf32, #tpu.memory_space<vmem>> -> memref<80x128xf32, #tpu.memory_space<vmem>>
    %dma_wait3A_92 = arith.constant 160 : i32
    %dma_wait3A_93 = tpu.memref_slice %arg10[%dma_wait3A_92] : memref<400xi32, #tpu.memory_space<vmem>> -> memref<80xi32, #tpu.memory_space<vmem>>
    %dma_wait3A_94 = arith.constant 0 : i32
    %dma_wait3A_95 = arith.constant 0 : i32
    %dma_wait3A_96 = tpu.memref_slice %arg17[%dma_wait3A_94, %dma_wait3A_95] : memref<64x128xf32, #tpu.memory_space<vmem_shared>> -> memref<64x128xf32, #tpu.memory_space<vmem_shared>>
    tpu.wait_indirect_dma semaphore(%arg20 : memref<!tpu.dma_semaphore, #tpu.memory_space<semaphore_mem>>) src(%dma_wait3A_96 : memref<64x128xf32, #tpu.memory_space<vmem_shared>>) dst(%dma_wait3A_91 : memref<80x128xf32, #tpu.memory_space<vmem>>)
    %dma_wait3A_97 = arith.constant 240 : i32
    %dma_wait3A_98 = arith.constant 0 : i32
    %dma_wait3A_99 = tpu.memref_slice %arg15[%dma_wait3A_97, %dma_wait3A_98] : memref<400x128xf32, #tpu.memory_space<vmem>> -> memref<80x128xf32, #tpu.memory_space<vmem>>
    %dma_wait3A_100 = arith.constant 240 : i32
    %dma_wait3A_101 = tpu.memref_slice %arg10[%dma_wait3A_100] : memref<400xi32, #tpu.memory_space<vmem>> -> memref<80xi32, #tpu.memory_space<vmem>>
    %dma_wait3A_102 = arith.constant 0 : i32
    %dma_wait3A_103 = arith.constant 0 : i32
    %dma_wait3A_104 = tpu.memref_slice %arg17[%dma_wait3A_102, %dma_wait3A_103] : memref<64x128xf32, #tpu.memory_space<vmem_shared>> -> memref<64x128xf32, #tpu.memory_space<vmem_shared>>
    tpu.wait_indirect_dma semaphore(%arg20 : memref<!tpu.dma_semaphore, #tpu.memory_space<semaphore_mem>>) src(%dma_wait3A_104 : memref<64x128xf32, #tpu.memory_space<vmem_shared>>) dst(%dma_wait3A_99 : memref<80x128xf32, #tpu.memory_space<vmem>>)
    %dma_wait3A_105 = arith.constant 320 : i32
    %dma_wait3A_106 = arith.constant 0 : i32
    %dma_wait3A_107 = tpu.memref_slice %arg15[%dma_wait3A_105, %dma_wait3A_106] : memref<400x128xf32, #tpu.memory_space<vmem>> -> memref<80x128xf32, #tpu.memory_space<vmem>>
    %dma_wait3A_108 = arith.constant 320 : i32
    %dma_wait3A_109 = tpu.memref_slice %arg10[%dma_wait3A_108] : memref<400xi32, #tpu.memory_space<vmem>> -> memref<80xi32, #tpu.memory_space<vmem>>
    %dma_wait3A_110 = arith.constant 0 : i32
    %dma_wait3A_111 = arith.constant 0 : i32
    %dma_wait3A_112 = tpu.memref_slice %arg17[%dma_wait3A_110, %dma_wait3A_111] : memref<64x128xf32, #tpu.memory_space<vmem_shared>> -> memref<64x128xf32, #tpu.memory_space<vmem_shared>>
    tpu.wait_indirect_dma semaphore(%arg20 : memref<!tpu.dma_semaphore, #tpu.memory_space<semaphore_mem>>) src(%dma_wait3A_112 : memref<64x128xf32, #tpu.memory_space<vmem_shared>>) dst(%dma_wait3A_107 : memref<80x128xf32, #tpu.memory_space<vmem>>)
    %dma_start3A_113 = arith.constant 0 : i32
    %dma_start3A_114 = tpu.memref_slice %arg6[%add3A_21, %dma_start3A_113] : memref<1600000x128xf32, #tpu.memory_space<hbm>> -> memref<400x128xf32, #tpu.memory_space<hbm>>
    %dma_start3A_115 = arith.constant 0 : i32
    %dma_start3A_116 = tpu.memref_slice %arg6[%add3A_21, %dma_start3A_115] : memref<1600000x128xf32, #tpu.memory_space<hbm>> -> memref<400x128xf32, #tpu.memory_space<hbm>>
    tpu.enqueue_dma source(%arg15 : memref<400x128xf32, #tpu.memory_space<vmem>>) target(%dma_start3A_116 : memref<400x128xf32, #tpu.memory_space<hbm>>) target_semaphore(%arg22 : memref<!tpu.dma_semaphore, #tpu.memory_space<semaphore_mem>>)
    %add3A_117 = arith.constant 800 : i32
    %add3A_118 = arith.addi %mul3A_2, %add3A_117 : i32
    %dma_start3A_119 = tpu.memref_slice %arg2[%add3A_118] : memref<1600000xi32, #tpu.memory_space<hbm>> -> memref<400xi32, #tpu.memory_space<hbm>>
    %dma_start3A_120 = tpu.memref_slice %arg2[%add3A_118] : memref<1600000xi32, #tpu.memory_space<hbm>> -> memref<400xi32, #tpu.memory_space<hbm>>
    tpu.enqueue_dma source(%dma_start3A_120 : memref<400xi32, #tpu.memory_space<hbm>>) target(%arg7 : memref<400xi32, #tpu.memory_space<vmem>>) target_semaphore(%arg18 : memref<!tpu.dma_semaphore, #tpu.memory_space<semaphore_mem>>)
    %dma_start3A_121 = tpu.memref_slice %arg3[%add3A_118] : memref<1600000xi32, #tpu.memory_space<hbm>> -> memref<400xi32, #tpu.memory_space<hbm>>
    %dma_start3A_122 = tpu.memref_slice %arg3[%add3A_118] : memref<1600000xi32, #tpu.memory_space<hbm>> -> memref<400xi32, #tpu.memory_space<hbm>>
    tpu.enqueue_dma source(%dma_start3A_122 : memref<400xi32, #tpu.memory_space<hbm>>) target(%arg8 : memref<400xi32, #tpu.memory_space<vmem>>) target_semaphore(%arg18 : memref<!tpu.dma_semaphore, #tpu.memory_space<semaphore_mem>>)
    %dma_start3A_123 = tpu.memref_slice %arg4[%add3A_118] : memref<1600000xi32, #tpu.memory_space<hbm>> -> memref<400xi32, #tpu.memory_space<hbm>>
    %dma_start3A_124 = tpu.memref_slice %arg4[%add3A_118] : memref<1600000xi32, #tpu.memory_space<hbm>> -> memref<400xi32, #tpu.memory_space<hbm>>
    tpu.enqueue_dma source(%dma_start3A_124 : memref<400xi32, #tpu.memory_space<hbm>>) target(%arg9 : memref<400xi32, #tpu.memory_space<vmem>>) target_semaphore(%arg18 : memref<!tpu.dma_semaphore, #tpu.memory_space<semaphore_mem>>)
    %add3A_125 = arith.constant 400 : i32
    %add3A_126 = arith.addi %mul3A_2, %add3A_125 : i32
    %add3A_127 = arith.constant 400 : i32
    %add3A_128 = arith.addi %mul3A_2, %add3A_127 : i32
    %dma_wait3A_129 = tpu.memref_slice %arg2[%add3A_128] : memref<1600000xi32, #tpu.memory_space<hbm>> -> memref<400xi32, #tpu.memory_space<hbm>>
    %dma_wait3A_130 = tpu.memref_slice %arg2[%add3A_128] : memref<1600000xi32, #tpu.memory_space<hbm>> -> memref<400xi32, #tpu.memory_space<hbm>>
    tpu.wait_dma2 semaphore(%arg19 : memref<!tpu.dma_semaphore, #tpu.memory_space<semaphore_mem>>) src(%dma_wait3A_130 : memref<400xi32, #tpu.memory_space<hbm>>) dst(%arg11 : memref<400xi32, #tpu.memory_space<vmem>>)
    %dma_wait3A_131 = tpu.memref_slice %arg3[%add3A_128] : memref<1600000xi32, #tpu.memory_space<hbm>> -> memref<400xi32, #tpu.memory_space<hbm>>
    %dma_wait3A_132 = tpu.memref_slice %arg3[%add3A_128] : memref<1600000xi32, #tpu.memory_space<hbm>> -> memref<400xi32, #tpu.memory_space<hbm>>
    tpu.wait_dma2 semaphore(%arg19 : memref<!tpu.dma_semaphore, #tpu.memory_space<semaphore_mem>>) src(%dma_wait3A_132 : memref<400xi32, #tpu.memory_space<hbm>>) dst(%arg12 : memref<400xi32, #tpu.memory_space<vmem>>)
    %dma_wait3A_133 = tpu.memref_slice %arg4[%add3A_128] : memref<1600000xi32, #tpu.memory_space<hbm>> -> memref<400xi32, #tpu.memory_space<hbm>>
    %dma_wait3A_134 = tpu.memref_slice %arg4[%add3A_128] : memref<1600000xi32, #tpu.memory_space<hbm>> -> memref<400xi32, #tpu.memory_space<hbm>>
    tpu.wait_dma2 semaphore(%arg19 : memref<!tpu.dma_semaphore, #tpu.memory_space<semaphore_mem>>) src(%dma_wait3A_134 : memref<400xi32, #tpu.memory_space<hbm>>) dst(%arg13 : memref<400xi32, #tpu.memory_space<vmem>>)
    %scan3A_135 = arith.constant 0 : i32
    %scan3A_136 = arith.constant 25 : i32
    %scan3A_137 = arith.addi %scan3A_135, %scan3A_136 : i32
    %scan3A_138 = arith.constant 1 : i32
    scf.for %scan3A_354 = %scan3A_135 to %scan3A_137 step %scan3A_138  : i32 {
      %mul3A_355 = arith.constant 16 : i32
      %mul3A_356 = arith.muli %scan3A_354, %mul3A_355 : i32
      %add3A_357 = arith.constant 0 : i32
      %add3A_358 = arith.addi %add3A_357, %mul3A_356 : i32
      %get3A = arith.index_cast %add3A_358 : i32 to index
      %get3A_359 = tpu.vector_load %arg11[%get3A] {strides = array<i32>} : memref<400xi32, #tpu.memory_space<vmem>>, vector<16xi32>,
      %get3A_360 = vector.shape_cast %get3A_359 : vector<16xi32> to vector<16xi32>
      %mul3A_361 = arith.constant 21 : i32
      %mul3A_362 = vector.broadcast %mul3A_361 : i32 to vector<16xi32>
      %mul3A_363 = arith.muli %get3A_360, %mul3A_362 : vector<16xi32>
      %get3A_364 = arith.index_cast %add3A_358 : i32 to index
      %get3A_365 = tpu.vector_load %arg12[%get3A_364] {strides = array<i32>} : memref<400xi32, #tpu.memory_space<vmem>>, vector<16xi32>,
      %get3A_366 = vector.shape_cast %get3A_365 : vector<16xi32> to vector<16xi32>
      %mul3A_367 = arith.constant 7 : i32
      %mul3A_368 = vector.broadcast %mul3A_367 : i32 to vector<16xi32>
      %mul3A_369 = arith.muli %get3A_366, %mul3A_368 : vector<16xi32>
      %add3A_370 = arith.addi %mul3A_363, %mul3A_369 : vector<16xi32>
      %get3A_371 = arith.index_cast %add3A_358 : i32 to index
      %get3A_372 = tpu.vector_load %arg13[%get3A_371] {strides = array<i32>} : memref<400xi32, #tpu.memory_space<vmem>>, vector<16xi32>,
      %get3A_373 = vector.shape_cast %get3A_372 : vector<16xi32> to vector<16xi32>
      %add3A_374 = arith.addi %add3A_370, %get3A_373 : vector<16xi32>
      %swap3A = arith.index_cast %add3A_358 : i32 to index
      %swap3A_375 = tpu.vector_load %arg14[%swap3A] {strides = array<i32>} : memref<400xi32, #tpu.memory_space<vmem>>, vector<16xi32>,
      %swap3A_376 = vector.shape_cast %swap3A_375 : vector<16xi32> to vector<16xi32>
      %swap3A_377 = vector.shape_cast %add3A_374 : vector<16xi32> to vector<16xi32>
      tpu.vector_store %arg14[%swap3A], %swap3A_377 {strides = array<i32>} : memref<400xi32, #tpu.memory_space<vmem>>, vector<16xi32>,
    }
    %scan3A_139 = arith.constant 25 : i32
    %dma_start3A_140 = arith.constant 0 : i32
    %dma_start3A_141 = arith.constant 0 : i32
    %dma_start3A_142 = tpu.memref_slice %arg16[%dma_start3A_140, %dma_start3A_141] : memref<400x128xf32, #tpu.memory_space<vmem>> -> memref<80x128xf32, #tpu.memory_space<vmem>>
    %dma_start3A_143 = arith.constant 0 : i32
    %dma_start3A_144 = tpu.memref_slice %arg14[%dma_start3A_143] : memref<400xi32, #tpu.memory_space<vmem>> -> memref<80xi32, #tpu.memory_space<vmem>>
    %dma_start3A_145 = arith.constant 0 : i32
    %dma_start3A_146 = arith.constant 0 : i32
    %dma_start3A_147 = tpu.memref_slice %arg17[%dma_start3A_145, %dma_start3A_146] : memref<64x128xf32, #tpu.memory_space<vmem_shared>> -> memref<64x128xf32, #tpu.memory_space<vmem_shared>>
    tpu.enqueue_indirect_dma source(%dma_start3A_147 : memref<64x128xf32, #tpu.memory_space<vmem_shared>>) target(%dma_start3A_142 : memref<80x128xf32, #tpu.memory_space<vmem>>) offsets(%dma_start3A_144 : memref<80xi32, #tpu.memory_space<vmem>>) semaphore(%arg21 : memref<!tpu.dma_semaphore, #tpu.memory_space<semaphore_mem>>)
    %dma_start3A_148 = arith.constant 80 : i32
    %dma_start3A_149 = arith.constant 0 : i32
    %dma_start3A_150 = tpu.memref_slice %arg16[%dma_start3A_148, %dma_start3A_149] : memref<400x128xf32, #tpu.memory_space<vmem>> -> memref<80x128xf32, #tpu.memory_space<vmem>>
    %dma_start3A_151 = arith.constant 80 : i32
    %dma_start3A_152 = tpu.memref_slice %arg14[%dma_start3A_151] : memref<400xi32, #tpu.memory_space<vmem>> -> memref<80xi32, #tpu.memory_space<vmem>>
    %dma_start3A_153 = arith.constant 0 : i32
    %dma_start3A_154 = arith.constant 0 : i32
    %dma_start3A_155 = tpu.memref_slice %arg17[%dma_start3A_153, %dma_start3A_154] : memref<64x128xf32, #tpu.memory_space<vmem_shared>> -> memref<64x128xf32, #tpu.memory_space<vmem_shared>>
    tpu.enqueue_indirect_dma source(%dma_start3A_155 : memref<64x128xf32, #tpu.memory_space<vmem_shared>>) target(%dma_start3A_150 : memref<80x128xf32, #tpu.memory_space<vmem>>) offsets(%dma_start3A_152 : memref<80xi32, #tpu.memory_space<vmem>>) semaphore(%arg21 : memref<!tpu.dma_semaphore, #tpu.memory_space<semaphore_mem>>)
    %dma_start3A_156 = arith.constant 160 : i32
    %dma_start3A_157 = arith.constant 0 : i32
    %dma_start3A_158 = tpu.memref_slice %arg16[%dma_start3A_156, %dma_start3A_157] : memref<400x128xf32, #tpu.memory_space<vmem>> -> memref<80x128xf32, #tpu.memory_space<vmem>>
    %dma_start3A_159 = arith.constant 160 : i32
    %dma_start3A_160 = tpu.memref_slice %arg14[%dma_start3A_159] : memref<400xi32, #tpu.memory_space<vmem>> -> memref<80xi32, #tpu.memory_space<vmem>>
    %dma_start3A_161 = arith.constant 0 : i32
    %dma_start3A_162 = arith.constant 0 : i32
    %dma_start3A_163 = tpu.memref_slice %arg17[%dma_start3A_161, %dma_start3A_162] : memref<64x128xf32, #tpu.memory_space<vmem_shared>> -> memref<64x128xf32, #tpu.memory_space<vmem_shared>>
    tpu.enqueue_indirect_dma source(%dma_start3A_163 : memref<64x128xf32, #tpu.memory_space<vmem_shared>>) target(%dma_start3A_158 : memref<80x128xf32, #tpu.memory_space<vmem>>) offsets(%dma_start3A_160 : memref<80xi32, #tpu.memory_space<vmem>>) semaphore(%arg21 : memref<!tpu.dma_semaphore, #tpu.memory_space<semaphore_mem>>)
    %dma_start3A_164 = arith.constant 240 : i32
    %dma_start3A_165 = arith.constant 0 : i32
    %dma_start3A_166 = tpu.memref_slice %arg16[%dma_start3A_164, %dma_start3A_165] : memref<400x128xf32, #tpu.memory_space<vmem>> -> memref<80x128xf32, #tpu.memory_space<vmem>>
    %dma_start3A_167 = arith.constant 240 : i32
    %dma_start3A_168 = tpu.memref_slice %arg14[%dma_start3A_167] : memref<400xi32, #tpu.memory_space<vmem>> -> memref<80xi32, #tpu.memory_space<vmem>>
    %dma_start3A_169 = arith.constant 0 : i32
    %dma_start3A_170 = arith.constant 0 : i32
    %dma_start3A_171 = tpu.memref_slice %arg17[%dma_start3A_169, %dma_start3A_170] : memref<64x128xf32, #tpu.memory_space<vmem_shared>> -> memref<64x128xf32, #tpu.memory_space<vmem_shared>>
    tpu.enqueue_indirect_dma source(%dma_start3A_171 : memref<64x128xf32, #tpu.memory_space<vmem_shared>>) target(%dma_start3A_166 : memref<80x128xf32, #tpu.memory_space<vmem>>) offsets(%dma_start3A_168 : memref<80xi32, #tpu.memory_space<vmem>>) semaphore(%arg21 : memref<!tpu.dma_semaphore, #tpu.memory_space<semaphore_mem>>)
    %dma_start3A_172 = arith.constant 320 : i32
    %dma_start3A_173 = arith.constant 0 : i32
    %dma_start3A_174 = tpu.memref_slice %arg16[%dma_start3A_172, %dma_start3A_173] : memref<400x128xf32, #tpu.memory_space<vmem>> -> memref<80x128xf32, #tpu.memory_space<vmem>>
    %dma_start3A_175 = arith.constant 320 : i32
    %dma_start3A_176 = tpu.memref_slice %arg14[%dma_start3A_175] : memref<400xi32, #tpu.memory_space<vmem>> -> memref<80xi32, #tpu.memory_space<vmem>>
    %dma_start3A_177 = arith.constant 0 : i32
    %dma_start3A_178 = arith.constant 0 : i32
    %dma_start3A_179 = tpu.memref_slice %arg17[%dma_start3A_177, %dma_start3A_178] : memref<64x128xf32, #tpu.memory_space<vmem_shared>> -> memref<64x128xf32, #tpu.memory_space<vmem_shared>>
    tpu.enqueue_indirect_dma source(%dma_start3A_179 : memref<64x128xf32, #tpu.memory_space<vmem_shared>>) target(%dma_start3A_174 : memref<80x128xf32, #tpu.memory_space<vmem>>) offsets(%dma_start3A_176 : memref<80xi32, #tpu.memory_space<vmem>>) semaphore(%arg21 : memref<!tpu.dma_semaphore, #tpu.memory_space<semaphore_mem>>)
    %dma_wait3A_180 = arith.constant 0 : i32
    %dma_wait3A_181 = arith.constant 0 : i32
    %dma_wait3A_182 = tpu.memref_slice %arg16[%dma_wait3A_180, %dma_wait3A_181] : memref<400x128xf32, #tpu.memory_space<vmem>> -> memref<80x128xf32, #tpu.memory_space<vmem>>
    %dma_wait3A_183 = arith.constant 0 : i32
    %dma_wait3A_184 = tpu.memref_slice %arg14[%dma_wait3A_183] : memref<400xi32, #tpu.memory_space<vmem>> -> memref<80xi32, #tpu.memory_space<vmem>>
    %dma_wait3A_185 = arith.constant 0 : i32
    %dma_wait3A_186 = arith.constant 0 : i32
    %dma_wait3A_187 = tpu.memref_slice %arg17[%dma_wait3A_185, %dma_wait3A_186] : memref<64x128xf32, #tpu.memory_space<vmem_shared>> -> memref<64x128xf32, #tpu.memory_space<vmem_shared>>
    tpu.wait_indirect_dma semaphore(%arg21 : memref<!tpu.dma_semaphore, #tpu.memory_space<semaphore_mem>>) src(%dma_wait3A_187 : memref<64x128xf32, #tpu.memory_space<vmem_shared>>) dst(%dma_wait3A_182 : memref<80x128xf32, #tpu.memory_space<vmem>>)
    %dma_wait3A_188 = arith.constant 80 : i32
    %dma_wait3A_189 = arith.constant 0 : i32
    %dma_wait3A_190 = tpu.memref_slice %arg16[%dma_wait3A_188, %dma_wait3A_189] : memref<400x128xf32, #tpu.memory_space<vmem>> -> memref<80x128xf32, #tpu.memory_space<vmem>>
    %dma_wait3A_191 = arith.constant 80 : i32
    %dma_wait3A_192 = tpu.memref_slice %arg14[%dma_wait3A_191] : memref<400xi32, #tpu.memory_space<vmem>> -> memref<80xi32, #tpu.memory_space<vmem>>
    %dma_wait3A_193 = arith.constant 0 : i32
    %dma_wait3A_194 = arith.constant 0 : i32
    %dma_wait3A_195 = tpu.memref_slice %arg17[%dma_wait3A_193, %dma_wait3A_194] : memref<64x128xf32, #tpu.memory_space<vmem_shared>> -> memref<64x128xf32, #tpu.memory_space<vmem_shared>>
    tpu.wait_indirect_dma semaphore(%arg21 : memref<!tpu.dma_semaphore, #tpu.memory_space<semaphore_mem>>) src(%dma_wait3A_195 : memref<64x128xf32, #tpu.memory_space<vmem_shared>>) dst(%dma_wait3A_190 : memref<80x128xf32, #tpu.memory_space<vmem>>)
    %dma_wait3A_196 = arith.constant 160 : i32
    %dma_wait3A_197 = arith.constant 0 : i32
    %dma_wait3A_198 = tpu.memref_slice %arg16[%dma_wait3A_196, %dma_wait3A_197] : memref<400x128xf32, #tpu.memory_space<vmem>> -> memref<80x128xf32, #tpu.memory_space<vmem>>
    %dma_wait3A_199 = arith.constant 160 : i32
    %dma_wait3A_200 = tpu.memref_slice %arg14[%dma_wait3A_199] : memref<400xi32, #tpu.memory_space<vmem>> -> memref<80xi32, #tpu.memory_space<vmem>>
    %dma_wait3A_201 = arith.constant 0 : i32
    %dma_wait3A_202 = arith.constant 0 : i32
    %dma_wait3A_203 = tpu.memref_slice %arg17[%dma_wait3A_201, %dma_wait3A_202] : memref<64x128xf32, #tpu.memory_space<vmem_shared>> -> memref<64x128xf32, #tpu.memory_space<vmem_shared>>
    tpu.wait_indirect_dma semaphore(%arg21 : memref<!tpu.dma_semaphore, #tpu.memory_space<semaphore_mem>>) src(%dma_wait3A_203 : memref<64x128xf32, #tpu.memory_space<vmem_shared>>) dst(%dma_wait3A_198 : memref<80x128xf32, #tpu.memory_space<vmem>>)
    %dma_wait3A_204 = arith.constant 240 : i32
    %dma_wait3A_205 = arith.constant 0 : i32
    %dma_wait3A_206 = tpu.memref_slice %arg16[%dma_wait3A_204, %dma_wait3A_205] : memref<400x128xf32, #tpu.memory_space<vmem>> -> memref<80x128xf32, #tpu.memory_space<vmem>>
    %dma_wait3A_207 = arith.constant 240 : i32
    %dma_wait3A_208 = tpu.memref_slice %arg14[%dma_wait3A_207] : memref<400xi32, #tpu.memory_space<vmem>> -> memref<80xi32, #tpu.memory_space<vmem>>
    %dma_wait3A_209 = arith.constant 0 : i32
    %dma_wait3A_210 = arith.constant 0 : i32
    %dma_wait3A_211 = tpu.memref_slice %arg17[%dma_wait3A_209, %dma_wait3A_210] : memref<64x128xf32, #tpu.memory_space<vmem_shared>> -> memref<64x128xf32, #tpu.memory_space<vmem_shared>>
    tpu.wait_indirect_dma semaphore(%arg21 : memref<!tpu.dma_semaphore, #tpu.memory_space<semaphore_mem>>) src(%dma_wait3A_211 : memref<64x128xf32, #tpu.memory_space<vmem_shared>>) dst(%dma_wait3A_206 : memref<80x128xf32, #tpu.memory_space<vmem>>)
    %dma_wait3A_212 = arith.constant 320 : i32
    %dma_wait3A_213 = arith.constant 0 : i32
    %dma_wait3A_214 = tpu.memref_slice %arg16[%dma_wait3A_212, %dma_wait3A_213] : memref<400x128xf32, #tpu.memory_space<vmem>> -> memref<80x128xf32, #tpu.memory_space<vmem>>
    %dma_wait3A_215 = arith.constant 320 : i32
    %dma_wait3A_216 = tpu.memref_slice %arg14[%dma_wait3A_215] : memref<400xi32, #tpu.memory_space<vmem>> -> memref<80xi32, #tpu.memory_space<vmem>>
    %dma_wait3A_217 = arith.constant 0 : i32
    %dma_wait3A_218 = arith.constant 0 : i32
    %dma_wait3A_219 = tpu.memref_slice %arg17[%dma_wait3A_217, %dma_wait3A_218] : memref<64x128xf32, #tpu.memory_space<vmem_shared>> -> memref<64x128xf32, #tpu.memory_space<vmem_shared>>
    tpu.wait_indirect_dma semaphore(%arg21 : memref<!tpu.dma_semaphore, #tpu.memory_space<semaphore_mem>>) src(%dma_wait3A_219 : memref<64x128xf32, #tpu.memory_space<vmem_shared>>) dst(%dma_wait3A_214 : memref<80x128xf32, #tpu.memory_space<vmem>>)
    %dma_start3A_220 = arith.constant 0 : i32
    %dma_start3A_221 = tpu.memref_slice %arg6[%add3A_126, %dma_start3A_220] : memref<1600000x128xf32, #tpu.memory_space<hbm>> -> memref<400x128xf32, #tpu.memory_space<hbm>>
    %dma_start3A_222 = arith.constant 0 : i32
    %dma_start3A_223 = tpu.memref_slice %arg6[%add3A_126, %dma_start3A_222] : memref<1600000x128xf32, #tpu.memory_space<hbm>> -> memref<400x128xf32, #tpu.memory_space<hbm>>
    tpu.enqueue_dma source(%arg16 : memref<400x128xf32, #tpu.memory_space<vmem>>) target(%dma_start3A_223 : memref<400x128xf32, #tpu.memory_space<hbm>>) target_semaphore(%arg23 : memref<!tpu.dma_semaphore, #tpu.memory_space<semaphore_mem>>)
    %add3A_224 = arith.constant 1200 : i32
    %add3A_225 = arith.addi %mul3A_2, %add3A_224 : i32
    %dma_start3A_226 = tpu.memref_slice %arg2[%add3A_225] : memref<1600000xi32, #tpu.memory_space<hbm>> -> memref<400xi32, #tpu.memory_space<hbm>>
    %dma_start3A_227 = tpu.memref_slice %arg2[%add3A_225] : memref<1600000xi32, #tpu.memory_space<hbm>> -> memref<400xi32, #tpu.memory_space<hbm>>
    tpu.enqueue_dma source(%dma_start3A_227 : memref<400xi32, #tpu.memory_space<hbm>>) target(%arg11 : memref<400xi32, #tpu.memory_space<vmem>>) target_semaphore(%arg19 : memref<!tpu.dma_semaphore, #tpu.memory_space<semaphore_mem>>)
    %dma_start3A_228 = tpu.memref_slice %arg3[%add3A_225] : memref<1600000xi32, #tpu.memory_space<hbm>> -> memref<400xi32, #tpu.memory_space<hbm>>
    %dma_start3A_229 = tpu.memref_slice %arg3[%add3A_225] : memref<1600000xi32, #tpu.memory_space<hbm>> -> memref<400xi32, #tpu.memory_space<hbm>>
    tpu.enqueue_dma source(%dma_start3A_229 : memref<400xi32, #tpu.memory_space<hbm>>) target(%arg12 : memref<400xi32, #tpu.memory_space<vmem>>) target_semaphore(%arg19 : memref<!tpu.dma_semaphore, #tpu.memory_space<semaphore_mem>>)
    %dma_start3A_230 = tpu.memref_slice %arg4[%add3A_225] : memref<1600000xi32, #tpu.memory_space<hbm>> -> memref<400xi32, #tpu.memory_space<hbm>>
    %dma_start3A_231 = tpu.memref_slice %arg4[%add3A_225] : memref<1600000xi32, #tpu.memory_space<hbm>> -> memref<400xi32, #tpu.memory_space<hbm>>
    tpu.enqueue_dma source(%dma_start3A_231 : memref<400xi32, #tpu.memory_space<hbm>>) target(%arg13 : memref<400xi32, #tpu.memory_space<vmem>>) target_semaphore(%arg19 : memref<!tpu.dma_semaphore, #tpu.memory_space<semaphore_mem>>)
    %scan3A_232 = arith.constant 0 : i32
    %scan3A_233 = arith.constant 61 : i32
    %scan3A_234 = arith.addi %scan3A_232, %scan3A_233 : i32
    %scan3A_235 = arith.constant 1 : i32
    scf.for %scan3A_354 = %scan3A_232 to %scan3A_234 step %scan3A_235  : i32 {
      %mul3A_355 = arith.constant 1 : i32
      %mul3A_356 = arith.muli %scan3A_354, %mul3A_355 : i32
      %add3A_357 = arith.constant 1 : i32
      %add3A_358 = arith.addi %add3A_357, %mul3A_356 : i32
      %mul3A_359 = arith.constant 2 : i32
      %mul3A_360 = arith.muli %mul3A_359, %add3A_358 : i32
      %add3A_361 = arith.constant 0 : i32
      %add3A_362 = arith.addi %mul3A_360, %add3A_361 : i32
      %mul3A_363 = arith.constant 400 : i32
      %mul3A_364 = arith.muli %add3A_362, %mul3A_363 : i32
      %add3A_365 = arith.addi %mul3A_2, %mul3A_364 : i32
      %mul3A_366 = arith.constant 400 : i32
      %mul3A_367 = arith.muli %add3A_362, %mul3A_366 : i32
      %add3A_368 = arith.addi %mul3A_2, %mul3A_367 : i32
      %dma_wait3A_369 = tpu.memref_slice %arg2[%add3A_368] : memref<1600000xi32, #tpu.memory_space<hbm>> -> memref<400xi32, #tpu.memory_space<hbm>>
      %dma_wait3A_370 = tpu.memref_slice %arg2[%add3A_368] : memref<1600000xi32, #tpu.memory_space<hbm>> -> memref<400xi32, #tpu.memory_space<hbm>>
      tpu.wait_dma2 semaphore(%arg18 : memref<!tpu.dma_semaphore, #tpu.memory_space<semaphore_mem>>) src(%dma_wait3A_370 : memref<400xi32, #tpu.memory_space<hbm>>) dst(%arg7 : memref<400xi32, #tpu.memory_space<vmem>>)
      %dma_wait3A_371 = tpu.memref_slice %arg3[%add3A_368] : memref<1600000xi32, #tpu.memory_space<hbm>> -> memref<400xi32, #tpu.memory_space<hbm>>
      %dma_wait3A_372 = tpu.memref_slice %arg3[%add3A_368] : memref<1600000xi32, #tpu.memory_space<hbm>> -> memref<400xi32, #tpu.memory_space<hbm>>
      tpu.wait_dma2 semaphore(%arg18 : memref<!tpu.dma_semaphore, #tpu.memory_space<semaphore_mem>>) src(%dma_wait3A_372 : memref<400xi32, #tpu.memory_space<hbm>>) dst(%arg8 : memref<400xi32, #tpu.memory_space<vmem>>)
      %dma_wait3A_373 = tpu.memref_slice %arg4[%add3A_368] : memref<1600000xi32, #tpu.memory_space<hbm>> -> memref<400xi32, #tpu.memory_space<hbm>>
      %dma_wait3A_374 = tpu.memref_slice %arg4[%add3A_368] : memref<1600000xi32, #tpu.memory_space<hbm>> -> memref<400xi32, #tpu.memory_space<hbm>>
      tpu.wait_dma2 semaphore(%arg18 : memref<!tpu.dma_semaphore, #tpu.memory_space<semaphore_mem>>) src(%dma_wait3A_374 : memref<400xi32, #tpu.memory_space<hbm>>) dst(%arg9 : memref<400xi32, #tpu.memory_space<vmem>>)
      %scan3A_375 = arith.constant 0 : i32
      %scan3A_376 = arith.constant 25 : i32
      %scan3A_377 = arith.addi %scan3A_375, %scan3A_376 : i32
      %scan3A_378 = arith.constant 1 : i32
      scf.for %scan3A_599 = %scan3A_375 to %scan3A_377 step %scan3A_378  : i32 {
        %mul3A_600 = arith.constant 16 : i32
        %mul3A_601 = arith.muli %scan3A_599, %mul3A_600 : i32
        %add3A_602 = arith.constant 0 : i32
        %add3A_603 = arith.addi %add3A_602, %mul3A_601 : i32
        %get3A = arith.index_cast %add3A_603 : i32 to index
        %get3A_604 = tpu.vector_load %arg7[%get3A] {strides = array<i32>} : memref<400xi32, #tpu.memory_space<vmem>>, vector<16xi32>,
        %get3A_605 = vector.shape_cast %get3A_604 : vector<16xi32> to vector<16xi32>
        %mul3A_606 = arith.constant 21 : i32
        %mul3A_607 = vector.broadcast %mul3A_606 : i32 to vector<16xi32>
        %mul3A_608 = arith.muli %get3A_605, %mul3A_607 : vector<16xi32>
        %get3A_609 = arith.index_cast %add3A_603 : i32 to index
        %get3A_610 = tpu.vector_load %arg8[%get3A_609] {strides = array<i32>} : memref<400xi32, #tpu.memory_space<vmem>>, vector<16xi32>,
        %get3A_611 = vector.shape_cast %get3A_610 : vector<16xi32> to vector<16xi32>
        %mul3A_612 = arith.constant 7 : i32
        %mul3A_613 = vector.broadcast %mul3A_612 : i32 to vector<16xi32>
        %mul3A_614 = arith.muli %get3A_611, %mul3A_613 : vector<16xi32>
        %add3A_615 = arith.addi %mul3A_608, %mul3A_614 : vector<16xi32>
        %get3A_616 = arith.index_cast %add3A_603 : i32 to index
        %get3A_617 = tpu.vector_load %arg9[%get3A_616] {strides = array<i32>} : memref<400xi32, #tpu.memory_space<vmem>>, vector<16xi32>,
        %get3A_618 = vector.shape_cast %get3A_617 : vector<16xi32> to vector<16xi32>
        %add3A_619 = arith.addi %add3A_615, %get3A_618 : vector<16xi32>
        %swap3A = arith.index_cast %add3A_603 : i32 to index
        %swap3A_620 = tpu.vector_load %arg10[%swap3A] {strides = array<i32>} : memref<400xi32, #tpu.memory_space<vmem>>, vector<16xi32>,
        %swap3A_621 = vector.shape_cast %swap3A_620 : vector<16xi32> to vector<16xi32>
        %swap3A_622 = vector.shape_cast %add3A_619 : vector<16xi32> to vector<16xi32>
        tpu.vector_store %arg10[%swap3A], %swap3A_622 {strides = array<i32>} : memref<400xi32, #tpu.memory_space<vmem>>, vector<16xi32>,
      }
      %scan3A_379 = arith.constant 25 : i32
      %sub3A = arith.constant 2 : i32
      %sub3A_380 = arith.subi %add3A_362, %sub3A : i32
      %mul3A_381 = arith.constant 400 : i32
      %mul3A_382 = arith.muli %sub3A_380, %mul3A_381 : i32
      %add3A_383 = arith.addi %mul3A_2, %mul3A_382 : i32
      %dma_wait3A_384 = arith.constant 0 : i32
      %dma_wait3A_385 = tpu.memref_slice %arg6[%add3A_383, %dma_wait3A_384] : memref<1600000x128xf32, #tpu.memory_space<hbm>> -> memref<400x128xf32, #tpu.memory_space<hbm>>
      %dma_wait3A_386 = arith.constant 0 : i32
      %dma_wait3A_387 = tpu.memref_slice %arg6[%add3A_383, %dma_wait3A_386] : memref<1600000x128xf32, #tpu.memory_space<hbm>> -> memref<400x128xf32, #tpu.memory_space<hbm>>
      tpu.wait_dma2 semaphore(%arg22 : memref<!tpu.dma_semaphore, #tpu.memory_space<semaphore_mem>>) src(%arg15 : memref<400x128xf32, #tpu.memory_space<vmem>>) dst(%dma_wait3A_387 : memref<400x128xf32, #tpu.memory_space<hbm>>)
      %dma_start3A_388 = arith.constant 0 : i32
      %dma_start3A_389 = arith.constant 0 : i32
      %dma_start3A_390 = tpu.memref_slice %arg15[%dma_start3A_388, %dma_start3A_389] : memref<400x128xf32, #tpu.memory_space<vmem>> -> memref<80x128xf32, #tpu.memory_space<vmem>>
      %dma_start3A_391 = arith.constant 0 : i32
      %dma_start3A_392 = tpu.memref_slice %arg10[%dma_start3A_391] : memref<400xi32, #tpu.memory_space<vmem>> -> memref<80xi32, #tpu.memory_space<vmem>>
      %dma_start3A_393 = arith.constant 0 : i32
      %dma_start3A_394 = arith.constant 0 : i32
      %dma_start3A_395 = tpu.memref_slice %arg17[%dma_start3A_393, %dma_start3A_394] : memref<64x128xf32, #tpu.memory_space<vmem_shared>> -> memref<64x128xf32, #tpu.memory_space<vmem_shared>>
      tpu.enqueue_indirect_dma source(%dma_start3A_395 : memref<64x128xf32, #tpu.memory_space<vmem_shared>>) target(%dma_start3A_390 : memref<80x128xf32, #tpu.memory_space<vmem>>) offsets(%dma_start3A_392 : memref<80xi32, #tpu.memory_space<vmem>>) semaphore(%arg20 : memref<!tpu.dma_semaphore, #tpu.memory_space<semaphore_mem>>)
      %dma_start3A_396 = arith.constant 80 : i32
      %dma_start3A_397 = arith.constant 0 : i32
      %dma_start3A_398 = tpu.memref_slice %arg15[%dma_start3A_396, %dma_start3A_397] : memref<400x128xf32, #tpu.memory_space<vmem>> -> memref<80x128xf32, #tpu.memory_space<vmem>>
      %dma_start3A_399 = arith.constant 80 : i32
      %dma_start3A_400 = tpu.memref_slice %arg10[%dma_start3A_399] : memref<400xi32, #tpu.memory_space<vmem>> -> memref<80xi32, #tpu.memory_space<vmem>>
      %dma_start3A_401 = arith.constant 0 : i32
      %dma_start3A_402 = arith.constant 0 : i32
      %dma_start3A_403 = tpu.memref_slice %arg17[%dma_start3A_401, %dma_start3A_402] : memref<64x128xf32, #tpu.memory_space<vmem_shared>> -> memref<64x128xf32, #tpu.memory_space<vmem_shared>>
      tpu.enqueue_indirect_dma source(%dma_start3A_403 : memref<64x128xf32, #tpu.memory_space<vmem_shared>>) target(%dma_start3A_398 : memref<80x128xf32, #tpu.memory_space<vmem>>) offsets(%dma_start3A_400 : memref<80xi32, #tpu.memory_space<vmem>>) semaphore(%arg20 : memref<!tpu.dma_semaphore, #tpu.memory_space<semaphore_mem>>)
      %dma_start3A_404 = arith.constant 160 : i32
      %dma_start3A_405 = arith.constant 0 : i32
      %dma_start3A_406 = tpu.memref_slice %arg15[%dma_start3A_404, %dma_start3A_405] : memref<400x128xf32, #tpu.memory_space<vmem>> -> memref<80x128xf32, #tpu.memory_space<vmem>>
      %dma_start3A_407 = arith.constant 160 : i32
      %dma_start3A_408 = tpu.memref_slice %arg10[%dma_start3A_407] : memref<400xi32, #tpu.memory_space<vmem>> -> memref<80xi32, #tpu.memory_space<vmem>>
      %dma_start3A_409 = arith.constant 0 : i32
      %dma_start3A_410 = arith.constant 0 : i32
      %dma_start3A_411 = tpu.memref_slice %arg17[%dma_start3A_409, %dma_start3A_410] : memref<64x128xf32, #tpu.memory_space<vmem_shared>> -> memref<64x128xf32, #tpu.memory_space<vmem_shared>>
      tpu.enqueue_indirect_dma source(%dma_start3A_411 : memref<64x128xf32, #tpu.memory_space<vmem_shared>>) target(%dma_start3A_406 : memref<80x128xf32, #tpu.memory_space<vmem>>) offsets(%dma_start3A_408 : memref<80xi32, #tpu.memory_space<vmem>>) semaphore(%arg20 : memref<!tpu.dma_semaphore, #tpu.memory_space<semaphore_mem>>)
      %dma_start3A_412 = arith.constant 240 : i32
      %dma_start3A_413 = arith.constant 0 : i32
      %dma_start3A_414 = tpu.memref_slice %arg15[%dma_start3A_412, %dma_start3A_413] : memref<400x128xf32, #tpu.memory_space<vmem>> -> memref<80x128xf32, #tpu.memory_space<vmem>>
      %dma_start3A_415 = arith.constant 240 : i32
      %dma_start3A_416 = tpu.memref_slice %arg10[%dma_start3A_415] : memref<400xi32, #tpu.memory_space<vmem>> -> memref<80xi32, #tpu.memory_space<vmem>>
      %dma_start3A_417 = arith.constant 0 : i32
      %dma_start3A_418 = arith.constant 0 : i32
      %dma_start3A_419 = tpu.memref_slice %arg17[%dma_start3A_417, %dma_start3A_418] : memref<64x128xf32, #tpu.memory_space<vmem_shared>> -> memref<64x128xf32, #tpu.memory_space<vmem_shared>>
      tpu.enqueue_indirect_dma source(%dma_start3A_419 : memref<64x128xf32, #tpu.memory_space<vmem_shared>>) target(%dma_start3A_414 : memref<80x128xf32, #tpu.memory_space<vmem>>) offsets(%dma_start3A_416 : memref<80xi32, #tpu.memory_space<vmem>>) semaphore(%arg20 : memref<!tpu.dma_semaphore, #tpu.memory_space<semaphore_mem>>)
      %dma_start3A_420 = arith.constant 320 : i32
      %dma_start3A_421 = arith.constant 0 : i32
      %dma_start3A_422 = tpu.memref_slice %arg15[%dma_start3A_420, %dma_start3A_421] : memref<400x128xf32, #tpu.memory_space<vmem>> -> memref<80x128xf32, #tpu.memory_space<vmem>>
      %dma_start3A_423 = arith.constant 320 : i32
      %dma_start3A_424 = tpu.memref_slice %arg10[%dma_start3A_423] : memref<400xi32, #tpu.memory_space<vmem>> -> memref<80xi32, #tpu.memory_space<vmem>>
      %dma_start3A_425 = arith.constant 0 : i32
      %dma_start3A_426 = arith.constant 0 : i32
      %dma_start3A_427 = tpu.memref_slice %arg17[%dma_start3A_425, %dma_start3A_426] : memref<64x128xf32, #tpu.memory_space<vmem_shared>> -> memref<64x128xf32, #tpu.memory_space<vmem_shared>>
      tpu.enqueue_indirect_dma source(%dma_start3A_427 : memref<64x128xf32, #tpu.memory_space<vmem_shared>>) target(%dma_start3A_422 : memref<80x128xf32, #tpu.memory_space<vmem>>) offsets(%dma_start3A_424 : memref<80xi32, #tpu.memory_space<vmem>>) semaphore(%arg20 : memref<!tpu.dma_semaphore, #tpu.memory_space<semaphore_mem>>)
      %dma_wait3A_428 = arith.constant 0 : i32
      %dma_wait3A_429 = arith.constant 0 : i32
      %dma_wait3A_430 = tpu.memref_slice %arg15[%dma_wait3A_428, %dma_wait3A_429] : memref<400x128xf32, #tpu.memory_space<vmem>> -> memref<80x128xf32, #tpu.memory_space<vmem>>
      %dma_wait3A_431 = arith.constant 0 : i32
      %dma_wait3A_432 = tpu.memref_slice %arg10[%dma_wait3A_431] : memref<400xi32, #tpu.memory_space<vmem>> -> memref<80xi32, #tpu.memory_space<vmem>>
      %dma_wait3A_433 = arith.constant 0 : i32
      %dma_wait3A_434 = arith.constant 0 : i32
      %dma_wait3A_435 = tpu.memref_slice %arg17[%dma_wait3A_433, %dma_wait3A_434] : memref<64x128xf32, #tpu.memory_space<vmem_shared>> -> memref<64x128xf32, #tpu.memory_space<vmem_shared>>
      tpu.wait_indirect_dma semaphore(%arg20 : memref<!tpu.dma_semaphore, #tpu.memory_space<semaphore_mem>>) src(%dma_wait3A_435 : memref<64x128xf32, #tpu.memory_space<vmem_shared>>) dst(%dma_wait3A_430 : memref<80x128xf32, #tpu.memory_space<vmem>>)
      %dma_wait3A_436 = arith.constant 80 : i32
      %dma_wait3A_437 = arith.constant 0 : i32
      %dma_wait3A_438 = tpu.memref_slice %arg15[%dma_wait3A_436, %dma_wait3A_437] : memref<400x128xf32, #tpu.memory_space<vmem>> -> memref<80x128xf32, #tpu.memory_space<vmem>>
      %dma_wait3A_439 = arith.constant 80 : i32
      %dma_wait3A_440 = tpu.memref_slice %arg10[%dma_wait3A_439] : memref<400xi32, #tpu.memory_space<vmem>> -> memref<80xi32, #tpu.memory_space<vmem>>
      %dma_wait3A_441 = arith.constant 0 : i32
      %dma_wait3A_442 = arith.constant 0 : i32
      %dma_wait3A_443 = tpu.memref_slice %arg17[%dma_wait3A_441, %dma_wait3A_442] : memref<64x128xf32, #tpu.memory_space<vmem_shared>> -> memref<64x128xf32, #tpu.memory_space<vmem_shared>>
      tpu.wait_indirect_dma semaphore(%arg20 : memref<!tpu.dma_semaphore, #tpu.memory_space<semaphore_mem>>) src(%dma_wait3A_443 : memref<64x128xf32, #tpu.memory_space<vmem_shared>>) dst(%dma_wait3A_438 : memref<80x128xf32, #tpu.memory_space<vmem>>)
      %dma_wait3A_444 = arith.constant 160 : i32
      %dma_wait3A_445 = arith.constant 0 : i32
      %dma_wait3A_446 = tpu.memref_slice %arg15[%dma_wait3A_444, %dma_wait3A_445] : memref<400x128xf32, #tpu.memory_space<vmem>> -> memref<80x128xf32, #tpu.memory_space<vmem>>
      %dma_wait3A_447 = arith.constant 160 : i32
      %dma_wait3A_448 = tpu.memref_slice %arg10[%dma_wait3A_447] : memref<400xi32, #tpu.memory_space<vmem>> -> memref<80xi32, #tpu.memory_space<vmem>>
      %dma_wait3A_449 = arith.constant 0 : i32
      %dma_wait3A_450 = arith.constant 0 : i32
      %dma_wait3A_451 = tpu.memref_slice %arg17[%dma_wait3A_449, %dma_wait3A_450] : memref<64x128xf32, #tpu.memory_space<vmem_shared>> -> memref<64x128xf32, #tpu.memory_space<vmem_shared>>
      tpu.wait_indirect_dma semaphore(%arg20 : memref<!tpu.dma_semaphore, #tpu.memory_space<semaphore_mem>>) src(%dma_wait3A_451 : memref<64x128xf32, #tpu.memory_space<vmem_shared>>) dst(%dma_wait3A_446 : memref<80x128xf32, #tpu.memory_space<vmem>>)
      %dma_wait3A_452 = arith.constant 240 : i32
      %dma_wait3A_453 = arith.constant 0 : i32
      %dma_wait3A_454 = tpu.memref_slice %arg15[%dma_wait3A_452, %dma_wait3A_453] : memref<400x128xf32, #tpu.memory_space<vmem>> -> memref<80x128xf32, #tpu.memory_space<vmem>>
      %dma_wait3A_455 = arith.constant 240 : i32
      %dma_wait3A_456 = tpu.memref_slice %arg10[%dma_wait3A_455] : memref<400xi32, #tpu.memory_space<vmem>> -> memref<80xi32, #tpu.memory_space<vmem>>
      %dma_wait3A_457 = arith.constant 0 : i32
      %dma_wait3A_458 = arith.constant 0 : i32
      %dma_wait3A_459 = tpu.memref_slice %arg17[%dma_wait3A_457, %dma_wait3A_458] : memref<64x128xf32, #tpu.memory_space<vmem_shared>> -> memref<64x128xf32, #tpu.memory_space<vmem_shared>>
      tpu.wait_indirect_dma semaphore(%arg20 : memref<!tpu.dma_semaphore, #tpu.memory_space<semaphore_mem>>) src(%dma_wait3A_459 : memref<64x128xf32, #tpu.memory_space<vmem_shared>>) dst(%dma_wait3A_454 : memref<80x128xf32, #tpu.memory_space<vmem>>)
      %dma_wait3A_460 = arith.constant 320 : i32
      %dma_wait3A_461 = arith.constant 0 : i32
      %dma_wait3A_462 = tpu.memref_slice %arg15[%dma_wait3A_460, %dma_wait3A_461] : memref<400x128xf32, #tpu.memory_space<vmem>> -> memref<80x128xf32, #tpu.memory_space<vmem>>
      %dma_wait3A_463 = arith.constant 320 : i32
      %dma_wait3A_464 = tpu.memref_slice %arg10[%dma_wait3A_463] : memref<400xi32, #tpu.memory_space<vmem>> -> memref<80xi32, #tpu.memory_space<vmem>>
      %dma_wait3A_465 = arith.constant 0 : i32
      %dma_wait3A_466 = arith.constant 0 : i32
      %dma_wait3A_467 = tpu.memref_slice %arg17[%dma_wait3A_465, %dma_wait3A_466] : memref<64x128xf32, #tpu.memory_space<vmem_shared>> -> memref<64x128xf32, #tpu.memory_space<vmem_shared>>
      tpu.wait_indirect_dma semaphore(%arg20 : memref<!tpu.dma_semaphore, #tpu.memory_space<semaphore_mem>>) src(%dma_wait3A_467 : memref<64x128xf32, #tpu.memory_space<vmem_shared>>) dst(%dma_wait3A_462 : memref<80x128xf32, #tpu.memory_space<vmem>>)
      %dma_start3A_468 = arith.constant 0 : i32
      %dma_start3A_469 = tpu.memref_slice %arg6[%add3A_365, %dma_start3A_468] : memref<1600000x128xf32, #tpu.memory_space<hbm>> -> memref<400x128xf32, #tpu.memory_space<hbm>>
      %dma_start3A_470 = arith.constant 0 : i32
      %dma_start3A_471 = tpu.memref_slice %arg6[%add3A_365, %dma_start3A_470] : memref<1600000x128xf32, #tpu.memory_space<hbm>> -> memref<400x128xf32, #tpu.memory_space<hbm>>
      tpu.enqueue_dma source(%arg15 : memref<400x128xf32, #tpu.memory_space<vmem>>) target(%dma_start3A_471 : memref<400x128xf32, #tpu.memory_space<hbm>>) target_semaphore(%arg22 : memref<!tpu.dma_semaphore, #tpu.memory_space<semaphore_mem>>)
      %add3A_472 = arith.constant 2 : i32
      %add3A_473 = arith.addi %add3A_362, %add3A_472 : i32
      %lt3A = arith.constant 125 : i32
      %lt3A_474 = arith.cmpi slt, %add3A_473, %lt3A : i32
      %convert_element_type3A_475 = arith.extui %lt3A_474 : i1 to i32
      %cond3A_476 = arith.constant 0 : i32
      %cond3A_477 = arith.cmpi ne, %convert_element_type3A_475, %cond3A_476 : i32
      scf.if %cond3A_477 {
        %add3A_599 = arith.constant 2 : i32
        %add3A_600 = arith.addi %add3A_362, %add3A_599 : i32
        %mul3A_601 = arith.constant 400 : i32
        %mul3A_602 = arith.muli %add3A_600, %mul3A_601 : i32
        %add3A_603 = arith.addi %mul3A_2, %mul3A_602 : i32
        %dma_start3A_604 = tpu.memref_slice %arg2[%add3A_603] : memref<1600000xi32, #tpu.memory_space<hbm>> -> memref<400xi32, #tpu.memory_space<hbm>>
        %dma_start3A_605 = tpu.memref_slice %arg2[%add3A_603] : memref<1600000xi32, #tpu.memory_space<hbm>> -> memref<400xi32, #tpu.memory_space<hbm>>
        tpu.enqueue_dma source(%dma_start3A_605 : memref<400xi32, #tpu.memory_space<hbm>>) target(%arg7 : memref<400xi32, #tpu.memory_space<vmem>>) target_semaphore(%arg18 : memref<!tpu.dma_semaphore, #tpu.memory_space<semaphore_mem>>)
        %dma_start3A_606 = tpu.memref_slice %arg3[%add3A_603] : memref<1600000xi32, #tpu.memory_space<hbm>> -> memref<400xi32, #tpu.memory_space<hbm>>
        %dma_start3A_607 = tpu.memref_slice %arg3[%add3A_603] : memref<1600000xi32, #tpu.memory_space<hbm>> -> memref<400xi32, #tpu.memory_space<hbm>>
        tpu.enqueue_dma source(%dma_start3A_607 : memref<400xi32, #tpu.memory_space<hbm>>) target(%arg8 : memref<400xi32, #tpu.memory_space<vmem>>) target_semaphore(%arg18 : memref<!tpu.dma_semaphore, #tpu.memory_space<semaphore_mem>>)
        %dma_start3A_608 = tpu.memref_slice %arg4[%add3A_603] : memref<1600000xi32, #tpu.memory_space<hbm>> -> memref<400xi32, #tpu.memory_space<hbm>>
        %dma_start3A_609 = tpu.memref_slice %arg4[%add3A_603] : memref<1600000xi32, #tpu.memory_space<hbm>> -> memref<400xi32, #tpu.memory_space<hbm>>
        tpu.enqueue_dma source(%dma_start3A_609 : memref<400xi32, #tpu.memory_space<hbm>>) target(%arg9 : memref<400xi32, #tpu.memory_space<vmem>>) target_semaphore(%arg18 : memref<!tpu.dma_semaphore, #tpu.memory_space<semaphore_mem>>)
      } else {
      }
      %mul3A_478 = arith.constant 2 : i32
      %mul3A_479 = arith.muli %mul3A_478, %add3A_358 : i32
      %add3A_480 = arith.constant 1 : i32
      %add3A_481 = arith.addi %mul3A_479, %add3A_480 : i32
      %mul3A_482 = arith.constant 400 : i32
      %mul3A_483 = arith.muli %add3A_481, %mul3A_482 : i32
      %add3A_484 = arith.addi %mul3A_2, %mul3A_483 : i32
      %mul3A_485 = arith.constant 400 : i32
      %mul3A_486 = arith.muli %add3A_481, %mul3A_485 : i32
      %add3A_487 = arith.addi %mul3A_2, %mul3A_486 : i32
      %dma_wait3A_488 = tpu.memref_slice %arg2[%add3A_487] : memref<1600000xi32, #tpu.memory_space<hbm>> -> memref<400xi32, #tpu.memory_space<hbm>>
      %dma_wait3A_489 = tpu.memref_slice %arg2[%add3A_487] : memref<1600000xi32, #tpu.memory_space<hbm>> -> memref<400xi32, #tpu.memory_space<hbm>>
      tpu.wait_dma2 semaphore(%arg19 : memref<!tpu.dma_semaphore, #tpu.memory_space<semaphore_mem>>) src(%dma_wait3A_489 : memref<400xi32, #tpu.memory_space<hbm>>) dst(%arg11 : memref<400xi32, #tpu.memory_space<vmem>>)
      %dma_wait3A_490 = tpu.memref_slice %arg3[%add3A_487] : memref<1600000xi32, #tpu.memory_space<hbm>> -> memref<400xi32, #tpu.memory_space<hbm>>
      %dma_wait3A_491 = tpu.memref_slice %arg3[%add3A_487] : memref<1600000xi32, #tpu.memory_space<hbm>> -> memref<400xi32, #tpu.memory_space<hbm>>
      tpu.wait_dma2 semaphore(%arg19 : memref<!tpu.dma_semaphore, #tpu.memory_space<semaphore_mem>>) src(%dma_wait3A_491 : memref<400xi32, #tpu.memory_space<hbm>>) dst(%arg12 : memref<400xi32, #tpu.memory_space<vmem>>)
      %dma_wait3A_492 = tpu.memref_slice %arg4[%add3A_487] : memref<1600000xi32, #tpu.memory_space<hbm>> -> memref<400xi32, #tpu.memory_space<hbm>>
      %dma_wait3A_493 = tpu.memref_slice %arg4[%add3A_487] : memref<1600000xi32, #tpu.memory_space<hbm>> -> memref<400xi32, #tpu.memory_space<hbm>>
      tpu.wait_dma2 semaphore(%arg19 : memref<!tpu.dma_semaphore, #tpu.memory_space<semaphore_mem>>) src(%dma_wait3A_493 : memref<400xi32, #tpu.memory_space<hbm>>) dst(%arg13 : memref<400xi32, #tpu.memory_space<vmem>>)
      %scan3A_494 = arith.constant 0 : i32
      %scan3A_495 = arith.constant 25 : i32
      %scan3A_496 = arith.addi %scan3A_494, %scan3A_495 : i32
      %scan3A_497 = arith.constant 1 : i32
      scf.for %scan3A_599 = %scan3A_494 to %scan3A_496 step %scan3A_497  : i32 {
        %mul3A_600 = arith.constant 16 : i32
        %mul3A_601 = arith.muli %scan3A_599, %mul3A_600 : i32
        %add3A_602 = arith.constant 0 : i32
        %add3A_603 = arith.addi %add3A_602, %mul3A_601 : i32
        %get3A = arith.index_cast %add3A_603 : i32 to index
        %get3A_604 = tpu.vector_load %arg11[%get3A] {strides = array<i32>} : memref<400xi32, #tpu.memory_space<vmem>>, vector<16xi32>,
        %get3A_605 = vector.shape_cast %get3A_604 : vector<16xi32> to vector<16xi32>
        %mul3A_606 = arith.constant 21 : i32
        %mul3A_607 = vector.broadcast %mul3A_606 : i32 to vector<16xi32>
        %mul3A_608 = arith.muli %get3A_605, %mul3A_607 : vector<16xi32>
        %get3A_609 = arith.index_cast %add3A_603 : i32 to index
        %get3A_610 = tpu.vector_load %arg12[%get3A_609] {strides = array<i32>} : memref<400xi32, #tpu.memory_space<vmem>>, vector<16xi32>,
        %get3A_611 = vector.shape_cast %get3A_610 : vector<16xi32> to vector<16xi32>
        %mul3A_612 = arith.constant 7 : i32
        %mul3A_613 = vector.broadcast %mul3A_612 : i32 to vector<16xi32>
        %mul3A_614 = arith.muli %get3A_611, %mul3A_613 : vector<16xi32>
        %add3A_615 = arith.addi %mul3A_608, %mul3A_614 : vector<16xi32>
        %get3A_616 = arith.index_cast %add3A_603 : i32 to index
        %get3A_617 = tpu.vector_load %arg13[%get3A_616] {strides = array<i32>} : memref<400xi32, #tpu.memory_space<vmem>>, vector<16xi32>,
        %get3A_618 = vector.shape_cast %get3A_617 : vector<16xi32> to vector<16xi32>
        %add3A_619 = arith.addi %add3A_615, %get3A_618 : vector<16xi32>
        %swap3A = arith.index_cast %add3A_603 : i32 to index
        %swap3A_620 = tpu.vector_load %arg14[%swap3A] {strides = array<i32>} : memref<400xi32, #tpu.memory_space<vmem>>, vector<16xi32>,
        %swap3A_621 = vector.shape_cast %swap3A_620 : vector<16xi32> to vector<16xi32>
        %swap3A_622 = vector.shape_cast %add3A_619 : vector<16xi32> to vector<16xi32>
        tpu.vector_store %arg14[%swap3A], %swap3A_622 {strides = array<i32>} : memref<400xi32, #tpu.memory_space<vmem>>, vector<16xi32>,
      }
      %scan3A_498 = arith.constant 25 : i32
      %sub3A_499 = arith.constant 2 : i32
      %sub3A_500 = arith.subi %add3A_481, %sub3A_499 : i32
      %mul3A_501 = arith.constant 400 : i32
      %mul3A_502 = arith.muli %sub3A_500, %mul3A_501 : i32
      %add3A_503 = arith.addi %mul3A_2, %mul3A_502 : i32
      %dma_wait3A_504 = arith.constant 0 : i32
      %dma_wait3A_505 = tpu.memref_slice %arg6[%add3A_503, %dma_wait3A_504] : memref<1600000x128xf32, #tpu.memory_space<hbm>> -> memref<400x128xf32, #tpu.memory_space<hbm>>
      %dma_wait3A_506 = arith.constant 0 : i32
      %dma_wait3A_507 = tpu.memref_slice %arg6[%add3A_503, %dma_wait3A_506] : memref<1600000x128xf32, #tpu.memory_space<hbm>> -> memref<400x128xf32, #tpu.memory_space<hbm>>
      tpu.wait_dma2 semaphore(%arg23 : memref<!tpu.dma_semaphore, #tpu.memory_space<semaphore_mem>>) src(%arg16 : memref<400x128xf32, #tpu.memory_space<vmem>>) dst(%dma_wait3A_507 : memref<400x128xf32, #tpu.memory_space<hbm>>)
      %dma_start3A_508 = arith.constant 0 : i32
      %dma_start3A_509 = arith.constant 0 : i32
      %dma_start3A_510 = tpu.memref_slice %arg16[%dma_start3A_508, %dma_start3A_509] : memref<400x128xf32, #tpu.memory_space<vmem>> -> memref<80x128xf32, #tpu.memory_space<vmem>>
      %dma_start3A_511 = arith.constant 0 : i32
      %dma_start3A_512 = tpu.memref_slice %arg14[%dma_start3A_511] : memref<400xi32, #tpu.memory_space<vmem>> -> memref<80xi32, #tpu.memory_space<vmem>>
      %dma_start3A_513 = arith.constant 0 : i32
      %dma_start3A_514 = arith.constant 0 : i32
      %dma_start3A_515 = tpu.memref_slice %arg17[%dma_start3A_513, %dma_start3A_514] : memref<64x128xf32, #tpu.memory_space<vmem_shared>> -> memref<64x128xf32, #tpu.memory_space<vmem_shared>>
      tpu.enqueue_indirect_dma source(%dma_start3A_515 : memref<64x128xf32, #tpu.memory_space<vmem_shared>>) target(%dma_start3A_510 : memref<80x128xf32, #tpu.memory_space<vmem>>) offsets(%dma_start3A_512 : memref<80xi32, #tpu.memory_space<vmem>>) semaphore(%arg21 : memref<!tpu.dma_semaphore, #tpu.memory_space<semaphore_mem>>)
      %dma_start3A_516 = arith.constant 80 : i32
      %dma_start3A_517 = arith.constant 0 : i32
      %dma_start3A_518 = tpu.memref_slice %arg16[%dma_start3A_516, %dma_start3A_517] : memref<400x128xf32, #tpu.memory_space<vmem>> -> memref<80x128xf32, #tpu.memory_space<vmem>>
      %dma_start3A_519 = arith.constant 80 : i32
      %dma_start3A_520 = tpu.memref_slice %arg14[%dma_start3A_519] : memref<400xi32, #tpu.memory_space<vmem>> -> memref<80xi32, #tpu.memory_space<vmem>>
      %dma_start3A_521 = arith.constant 0 : i32
      %dma_start3A_522 = arith.constant 0 : i32
      %dma_start3A_523 = tpu.memref_slice %arg17[%dma_start3A_521, %dma_start3A_522] : memref<64x128xf32, #tpu.memory_space<vmem_shared>> -> memref<64x128xf32, #tpu.memory_space<vmem_shared>>
      tpu.enqueue_indirect_dma source(%dma_start3A_523 : memref<64x128xf32, #tpu.memory_space<vmem_shared>>) target(%dma_start3A_518 : memref<80x128xf32, #tpu.memory_space<vmem>>) offsets(%dma_start3A_520 : memref<80xi32, #tpu.memory_space<vmem>>) semaphore(%arg21 : memref<!tpu.dma_semaphore, #tpu.memory_space<semaphore_mem>>)
      %dma_start3A_524 = arith.constant 160 : i32
      %dma_start3A_525 = arith.constant 0 : i32
      %dma_start3A_526 = tpu.memref_slice %arg16[%dma_start3A_524, %dma_start3A_525] : memref<400x128xf32, #tpu.memory_space<vmem>> -> memref<80x128xf32, #tpu.memory_space<vmem>>
      %dma_start3A_527 = arith.constant 160 : i32
      %dma_start3A_528 = tpu.memref_slice %arg14[%dma_start3A_527] : memref<400xi32, #tpu.memory_space<vmem>> -> memref<80xi32, #tpu.memory_space<vmem>>
      %dma_start3A_529 = arith.constant 0 : i32
      %dma_start3A_530 = arith.constant 0 : i32
      %dma_start3A_531 = tpu.memref_slice %arg17[%dma_start3A_529, %dma_start3A_530] : memref<64x128xf32, #tpu.memory_space<vmem_shared>> -> memref<64x128xf32, #tpu.memory_space<vmem_shared>>
      tpu.enqueue_indirect_dma source(%dma_start3A_531 : memref<64x128xf32, #tpu.memory_space<vmem_shared>>) target(%dma_start3A_526 : memref<80x128xf32, #tpu.memory_space<vmem>>) offsets(%dma_start3A_528 : memref<80xi32, #tpu.memory_space<vmem>>) semaphore(%arg21 : memref<!tpu.dma_semaphore, #tpu.memory_space<semaphore_mem>>)
      %dma_start3A_532 = arith.constant 240 : i32
      %dma_start3A_533 = arith.constant 0 : i32
      %dma_start3A_534 = tpu.memref_slice %arg16[%dma_start3A_532, %dma_start3A_533] : memref<400x128xf32, #tpu.memory_space<vmem>> -> memref<80x128xf32, #tpu.memory_space<vmem>>
      %dma_start3A_535 = arith.constant 240 : i32
      %dma_start3A_536 = tpu.memref_slice %arg14[%dma_start3A_535] : memref<400xi32, #tpu.memory_space<vmem>> -> memref<80xi32, #tpu.memory_space<vmem>>
      %dma_start3A_537 = arith.constant 0 : i32
      %dma_start3A_538 = arith.constant 0 : i32
      %dma_start3A_539 = tpu.memref_slice %arg17[%dma_start3A_537, %dma_start3A_538] : memref<64x128xf32, #tpu.memory_space<vmem_shared>> -> memref<64x128xf32, #tpu.memory_space<vmem_shared>>
      tpu.enqueue_indirect_dma source(%dma_start3A_539 : memref<64x128xf32, #tpu.memory_space<vmem_shared>>) target(%dma_start3A_534 : memref<80x128xf32, #tpu.memory_space<vmem>>) offsets(%dma_start3A_536 : memref<80xi32, #tpu.memory_space<vmem>>) semaphore(%arg21 : memref<!tpu.dma_semaphore, #tpu.memory_space<semaphore_mem>>)
      %dma_start3A_540 = arith.constant 320 : i32
      %dma_start3A_541 = arith.constant 0 : i32
      %dma_start3A_542 = tpu.memref_slice %arg16[%dma_start3A_540, %dma_start3A_541] : memref<400x128xf32, #tpu.memory_space<vmem>> -> memref<80x128xf32, #tpu.memory_space<vmem>>
      %dma_start3A_543 = arith.constant 320 : i32
      %dma_start3A_544 = tpu.memref_slice %arg14[%dma_start3A_543] : memref<400xi32, #tpu.memory_space<vmem>> -> memref<80xi32, #tpu.memory_space<vmem>>
      %dma_start3A_545 = arith.constant 0 : i32
      %dma_start3A_546 = arith.constant 0 : i32
      %dma_start3A_547 = tpu.memref_slice %arg17[%dma_start3A_545, %dma_start3A_546] : memref<64x128xf32, #tpu.memory_space<vmem_shared>> -> memref<64x128xf32, #tpu.memory_space<vmem_shared>>
      tpu.enqueue_indirect_dma source(%dma_start3A_547 : memref<64x128xf32, #tpu.memory_space<vmem_shared>>) target(%dma_start3A_542 : memref<80x128xf32, #tpu.memory_space<vmem>>) offsets(%dma_start3A_544 : memref<80xi32, #tpu.memory_space<vmem>>) semaphore(%arg21 : memref<!tpu.dma_semaphore, #tpu.memory_space<semaphore_mem>>)
      %dma_wait3A_548 = arith.constant 0 : i32
      %dma_wait3A_549 = arith.constant 0 : i32
      %dma_wait3A_550 = tpu.memref_slice %arg16[%dma_wait3A_548, %dma_wait3A_549] : memref<400x128xf32, #tpu.memory_space<vmem>> -> memref<80x128xf32, #tpu.memory_space<vmem>>
      %dma_wait3A_551 = arith.constant 0 : i32
      %dma_wait3A_552 = tpu.memref_slice %arg14[%dma_wait3A_551] : memref<400xi32, #tpu.memory_space<vmem>> -> memref<80xi32, #tpu.memory_space<vmem>>
      %dma_wait3A_553 = arith.constant 0 : i32
      %dma_wait3A_554 = arith.constant 0 : i32
      %dma_wait3A_555 = tpu.memref_slice %arg17[%dma_wait3A_553, %dma_wait3A_554] : memref<64x128xf32, #tpu.memory_space<vmem_shared>> -> memref<64x128xf32, #tpu.memory_space<vmem_shared>>
      tpu.wait_indirect_dma semaphore(%arg21 : memref<!tpu.dma_semaphore, #tpu.memory_space<semaphore_mem>>) src(%dma_wait3A_555 : memref<64x128xf32, #tpu.memory_space<vmem_shared>>) dst(%dma_wait3A_550 : memref<80x128xf32, #tpu.memory_space<vmem>>)
      %dma_wait3A_556 = arith.constant 80 : i32
      %dma_wait3A_557 = arith.constant 0 : i32
      %dma_wait3A_558 = tpu.memref_slice %arg16[%dma_wait3A_556, %dma_wait3A_557] : memref<400x128xf32, #tpu.memory_space<vmem>> -> memref<80x128xf32, #tpu.memory_space<vmem>>
      %dma_wait3A_559 = arith.constant 80 : i32
      %dma_wait3A_560 = tpu.memref_slice %arg14[%dma_wait3A_559] : memref<400xi32, #tpu.memory_space<vmem>> -> memref<80xi32, #tpu.memory_space<vmem>>
      %dma_wait3A_561 = arith.constant 0 : i32
      %dma_wait3A_562 = arith.constant 0 : i32
      %dma_wait3A_563 = tpu.memref_slice %arg17[%dma_wait3A_561, %dma_wait3A_562] : memref<64x128xf32, #tpu.memory_space<vmem_shared>> -> memref<64x128xf32, #tpu.memory_space<vmem_shared>>
      tpu.wait_indirect_dma semaphore(%arg21 : memref<!tpu.dma_semaphore, #tpu.memory_space<semaphore_mem>>) src(%dma_wait3A_563 : memref<64x128xf32, #tpu.memory_space<vmem_shared>>) dst(%dma_wait3A_558 : memref<80x128xf32, #tpu.memory_space<vmem>>)
      %dma_wait3A_564 = arith.constant 160 : i32
      %dma_wait3A_565 = arith.constant 0 : i32
      %dma_wait3A_566 = tpu.memref_slice %arg16[%dma_wait3A_564, %dma_wait3A_565] : memref<400x128xf32, #tpu.memory_space<vmem>> -> memref<80x128xf32, #tpu.memory_space<vmem>>
      %dma_wait3A_567 = arith.constant 160 : i32
      %dma_wait3A_568 = tpu.memref_slice %arg14[%dma_wait3A_567] : memref<400xi32, #tpu.memory_space<vmem>> -> memref<80xi32, #tpu.memory_space<vmem>>
      %dma_wait3A_569 = arith.constant 0 : i32
      %dma_wait3A_570 = arith.constant 0 : i32
      %dma_wait3A_571 = tpu.memref_slice %arg17[%dma_wait3A_569, %dma_wait3A_570] : memref<64x128xf32, #tpu.memory_space<vmem_shared>> -> memref<64x128xf32, #tpu.memory_space<vmem_shared>>
      tpu.wait_indirect_dma semaphore(%arg21 : memref<!tpu.dma_semaphore, #tpu.memory_space<semaphore_mem>>) src(%dma_wait3A_571 : memref<64x128xf32, #tpu.memory_space<vmem_shared>>) dst(%dma_wait3A_566 : memref<80x128xf32, #tpu.memory_space<vmem>>)
      %dma_wait3A_572 = arith.constant 240 : i32
      %dma_wait3A_573 = arith.constant 0 : i32
      %dma_wait3A_574 = tpu.memref_slice %arg16[%dma_wait3A_572, %dma_wait3A_573] : memref<400x128xf32, #tpu.memory_space<vmem>> -> memref<80x128xf32, #tpu.memory_space<vmem>>
      %dma_wait3A_575 = arith.constant 240 : i32
      %dma_wait3A_576 = tpu.memref_slice %arg14[%dma_wait3A_575] : memref<400xi32, #tpu.memory_space<vmem>> -> memref<80xi32, #tpu.memory_space<vmem>>
      %dma_wait3A_577 = arith.constant 0 : i32
      %dma_wait3A_578 = arith.constant 0 : i32
      %dma_wait3A_579 = tpu.memref_slice %arg17[%dma_wait3A_577, %dma_wait3A_578] : memref<64x128xf32, #tpu.memory_space<vmem_shared>> -> memref<64x128xf32, #tpu.memory_space<vmem_shared>>
      tpu.wait_indirect_dma semaphore(%arg21 : memref<!tpu.dma_semaphore, #tpu.memory_space<semaphore_mem>>) src(%dma_wait3A_579 : memref<64x128xf32, #tpu.memory_space<vmem_shared>>) dst(%dma_wait3A_574 : memref<80x128xf32, #tpu.memory_space<vmem>>)
      %dma_wait3A_580 = arith.constant 320 : i32
      %dma_wait3A_581 = arith.constant 0 : i32
      %dma_wait3A_582 = tpu.memref_slice %arg16[%dma_wait3A_580, %dma_wait3A_581] : memref<400x128xf32, #tpu.memory_space<vmem>> -> memref<80x128xf32, #tpu.memory_space<vmem>>
      %dma_wait3A_583 = arith.constant 320 : i32
      %dma_wait3A_584 = tpu.memref_slice %arg14[%dma_wait3A_583] : memref<400xi32, #tpu.memory_space<vmem>> -> memref<80xi32, #tpu.memory_space<vmem>>
      %dma_wait3A_585 = arith.constant 0 : i32
      %dma_wait3A_586 = arith.constant 0 : i32
      %dma_wait3A_587 = tpu.memref_slice %arg17[%dma_wait3A_585, %dma_wait3A_586] : memref<64x128xf32, #tpu.memory_space<vmem_shared>> -> memref<64x128xf32, #tpu.memory_space<vmem_shared>>
      tpu.wait_indirect_dma semaphore(%arg21 : memref<!tpu.dma_semaphore, #tpu.memory_space<semaphore_mem>>) src(%dma_wait3A_587 : memref<64x128xf32, #tpu.memory_space<vmem_shared>>) dst(%dma_wait3A_582 : memref<80x128xf32, #tpu.memory_space<vmem>>)
      %dma_start3A_588 = arith.constant 0 : i32
      %dma_start3A_589 = tpu.memref_slice %arg6[%add3A_484, %dma_start3A_588] : memref<1600000x128xf32, #tpu.memory_space<hbm>> -> memref<400x128xf32, #tpu.memory_space<hbm>>
      %dma_start3A_590 = arith.constant 0 : i32
      %dma_start3A_591 = tpu.memref_slice %arg6[%add3A_484, %dma_start3A_590] : memref<1600000x128xf32, #tpu.memory_space<hbm>> -> memref<400x128xf32, #tpu.memory_space<hbm>>
      tpu.enqueue_dma source(%arg16 : memref<400x128xf32, #tpu.memory_space<vmem>>) target(%dma_start3A_591 : memref<400x128xf32, #tpu.memory_space<hbm>>) target_semaphore(%arg23 : memref<!tpu.dma_semaphore, #tpu.memory_space<semaphore_mem>>)
      %add3A_592 = arith.constant 2 : i32
      %add3A_593 = arith.addi %add3A_481, %add3A_592 : i32
      %lt3A_594 = arith.constant 125 : i32
      %lt3A_595 = arith.cmpi slt, %add3A_593, %lt3A_594 : i32
      %convert_element_type3A_596 = arith.extui %lt3A_595 : i1 to i32
      %cond3A_597 = arith.constant 0 : i32
      %cond3A_598 = arith.cmpi ne, %convert_element_type3A_596, %cond3A_597 : i32
      scf.if %cond3A_598 {
        %add3A_599 = arith.constant 2 : i32
        %add3A_600 = arith.addi %add3A_481, %add3A_599 : i32
        %mul3A_601 = arith.constant 400 : i32
        %mul3A_602 = arith.muli %add3A_600, %mul3A_601 : i32
        %add3A_603 = arith.addi %mul3A_2, %mul3A_602 : i32
        %dma_start3A_604 = tpu.memref_slice %arg2[%add3A_603] : memref<1600000xi32, #tpu.memory_space<hbm>> -> memref<400xi32, #tpu.memory_space<hbm>>
        %dma_start3A_605 = tpu.memref_slice %arg2[%add3A_603] : memref<1600000xi32, #tpu.memory_space<hbm>> -> memref<400xi32, #tpu.memory_space<hbm>>
        tpu.enqueue_dma source(%dma_start3A_605 : memref<400xi32, #tpu.memory_space<hbm>>) target(%arg11 : memref<400xi32, #tpu.memory_space<vmem>>) target_semaphore(%arg19 : memref<!tpu.dma_semaphore, #tpu.memory_space<semaphore_mem>>)
        %dma_start3A_606 = tpu.memref_slice %arg3[%add3A_603] : memref<1600000xi32, #tpu.memory_space<hbm>> -> memref<400xi32, #tpu.memory_space<hbm>>
        %dma_start3A_607 = tpu.memref_slice %arg3[%add3A_603] : memref<1600000xi32, #tpu.memory_space<hbm>> -> memref<400xi32, #tpu.memory_space<hbm>>
        tpu.enqueue_dma source(%dma_start3A_607 : memref<400xi32, #tpu.memory_space<hbm>>) target(%arg12 : memref<400xi32, #tpu.memory_space<vmem>>) target_semaphore(%arg19 : memref<!tpu.dma_semaphore, #tpu.memory_space<semaphore_mem>>)
        %dma_start3A_608 = tpu.memref_slice %arg4[%add3A_603] : memref<1600000xi32, #tpu.memory_space<hbm>> -> memref<400xi32, #tpu.memory_space<hbm>>
        %dma_start3A_609 = tpu.memref_slice %arg4[%add3A_603] : memref<1600000xi32, #tpu.memory_space<hbm>> -> memref<400xi32, #tpu.memory_space<hbm>>
        tpu.enqueue_dma source(%dma_start3A_609 : memref<400xi32, #tpu.memory_space<hbm>>) target(%arg13 : memref<400xi32, #tpu.memory_space<vmem>>) target_semaphore(%arg19 : memref<!tpu.dma_semaphore, #tpu.memory_space<semaphore_mem>>)
      } else {
      }
    }
    %scan3A_236 = arith.constant 61 : i32
    %add3A_237 = arith.constant 49600 : i32
    %add3A_238 = arith.addi %mul3A_2, %add3A_237 : i32
    %add3A_239 = arith.constant 49600 : i32
    %add3A_240 = arith.addi %mul3A_2, %add3A_239 : i32
    %dma_wait3A_241 = tpu.memref_slice %arg2[%add3A_240] : memref<1600000xi32, #tpu.memory_space<hbm>> -> memref<400xi32, #tpu.memory_space<hbm>>
    %dma_wait3A_242 = tpu.memref_slice %arg2[%add3A_240] : memref<1600000xi32, #tpu.memory_space<hbm>> -> memref<400xi32, #tpu.memory_space<hbm>>
    tpu.wait_dma2 semaphore(%arg18 : memref<!tpu.dma_semaphore, #tpu.memory_space<semaphore_mem>>) src(%dma_wait3A_242 : memref<400xi32, #tpu.memory_space<hbm>>) dst(%arg7 : memref<400xi32, #tpu.memory_space<vmem>>)
    %dma_wait3A_243 = tpu.memref_slice %arg3[%add3A_240] : memref<1600000xi32, #tpu.memory_space<hbm>> -> memref<400xi32, #tpu.memory_space<hbm>>
    %dma_wait3A_244 = tpu.memref_slice %arg3[%add3A_240] : memref<1600000xi32, #tpu.memory_space<hbm>> -> memref<400xi32, #tpu.memory_space<hbm>>
    tpu.wait_dma2 semaphore(%arg18 : memref<!tpu.dma_semaphore, #tpu.memory_space<semaphore_mem>>) src(%dma_wait3A_244 : memref<400xi32, #tpu.memory_space<hbm>>) dst(%arg8 : memref<400xi32, #tpu.memory_space<vmem>>)
    %dma_wait3A_245 = tpu.memref_slice %arg4[%add3A_240] : memref<1600000xi32, #tpu.memory_space<hbm>> -> memref<400xi32, #tpu.memory_space<hbm>>
    %dma_wait3A_246 = tpu.memref_slice %arg4[%add3A_240] : memref<1600000xi32, #tpu.memory_space<hbm>> -> memref<400xi32, #tpu.memory_space<hbm>>
    tpu.wait_dma2 semaphore(%arg18 : memref<!tpu.dma_semaphore, #tpu.memory_space<semaphore_mem>>) src(%dma_wait3A_246 : memref<400xi32, #tpu.memory_space<hbm>>) dst(%arg9 : memref<400xi32, #tpu.memory_space<vmem>>)
    %scan3A_247 = arith.constant 0 : i32
    %scan3A_248 = arith.constant 25 : i32
    %scan3A_249 = arith.addi %scan3A_247, %scan3A_248 : i32
    %scan3A_250 = arith.constant 1 : i32
    scf.for %scan3A_354 = %scan3A_247 to %scan3A_249 step %scan3A_250  : i32 {
      %mul3A_355 = arith.constant 16 : i32
      %mul3A_356 = arith.muli %scan3A_354, %mul3A_355 : i32
      %add3A_357 = arith.constant 0 : i32
      %add3A_358 = arith.addi %add3A_357, %mul3A_356 : i32
      %get3A = arith.index_cast %add3A_358 : i32 to index
      %get3A_359 = tpu.vector_load %arg7[%get3A] {strides = array<i32>} : memref<400xi32, #tpu.memory_space<vmem>>, vector<16xi32>,
      %get3A_360 = vector.shape_cast %get3A_359 : vector<16xi32> to vector<16xi32>
      %mul3A_361 = arith.constant 21 : i32
      %mul3A_362 = vector.broadcast %mul3A_361 : i32 to vector<16xi32>
      %mul3A_363 = arith.muli %get3A_360, %mul3A_362 : vector<16xi32>
      %get3A_364 = arith.index_cast %add3A_358 : i32 to index
      %get3A_365 = tpu.vector_load %arg8[%get3A_364] {strides = array<i32>} : memref<400xi32, #tpu.memory_space<vmem>>, vector<16xi32>,
      %get3A_366 = vector.shape_cast %get3A_365 : vector<16xi32> to vector<16xi32>
      %mul3A_367 = arith.constant 7 : i32
      %mul3A_368 = vector.broadcast %mul3A_367 : i32 to vector<16xi32>
      %mul3A_369 = arith.muli %get3A_366, %mul3A_368 : vector<16xi32>
      %add3A_370 = arith.addi %mul3A_363, %mul3A_369 : vector<16xi32>
      %get3A_371 = arith.index_cast %add3A_358 : i32 to index
      %get3A_372 = tpu.vector_load %arg9[%get3A_371] {strides = array<i32>} : memref<400xi32, #tpu.memory_space<vmem>>, vector<16xi32>,
      %get3A_373 = vector.shape_cast %get3A_372 : vector<16xi32> to vector<16xi32>
      %add3A_374 = arith.addi %add3A_370, %get3A_373 : vector<16xi32>
      %swap3A = arith.index_cast %add3A_358 : i32 to index
      %swap3A_375 = tpu.vector_load %arg10[%swap3A] {strides = array<i32>} : memref<400xi32, #tpu.memory_space<vmem>>, vector<16xi32>,
      %swap3A_376 = vector.shape_cast %swap3A_375 : vector<16xi32> to vector<16xi32>
      %swap3A_377 = vector.shape_cast %add3A_374 : vector<16xi32> to vector<16xi32>
      tpu.vector_store %arg10[%swap3A], %swap3A_377 {strides = array<i32>} : memref<400xi32, #tpu.memory_space<vmem>>, vector<16xi32>,
    }
    %scan3A_251 = arith.constant 25 : i32
    %add3A_252 = arith.constant 48800 : i32
    %add3A_253 = arith.addi %mul3A_2, %add3A_252 : i32
    %dma_wait3A_254 = arith.constant 0 : i32
    %dma_wait3A_255 = tpu.memref_slice %arg6[%add3A_253, %dma_wait3A_254] : memref<1600000x128xf32, #tpu.memory_space<hbm>> -> memref<400x128xf32, #tpu.memory_space<hbm>>
    %dma_wait3A_256 = arith.constant 0 : i32
    %dma_wait3A_257 = tpu.memref_slice %arg6[%add3A_253, %dma_wait3A_256] : memref<1600000x128xf32, #tpu.memory_space<hbm>> -> memref<400x128xf32, #tpu.memory_space<hbm>>
    tpu.wait_dma2 semaphore(%arg22 : memref<!tpu.dma_semaphore, #tpu.memory_space<semaphore_mem>>) src(%arg15 : memref<400x128xf32, #tpu.memory_space<vmem>>) dst(%dma_wait3A_257 : memref<400x128xf32, #tpu.memory_space<hbm>>)
    %dma_start3A_258 = arith.constant 0 : i32
    %dma_start3A_259 = arith.constant 0 : i32
    %dma_start3A_260 = tpu.memref_slice %arg15[%dma_start3A_258, %dma_start3A_259] : memref<400x128xf32, #tpu.memory_space<vmem>> -> memref<80x128xf32, #tpu.memory_space<vmem>>
    %dma_start3A_261 = arith.constant 0 : i32
    %dma_start3A_262 = tpu.memref_slice %arg10[%dma_start3A_261] : memref<400xi32, #tpu.memory_space<vmem>> -> memref<80xi32, #tpu.memory_space<vmem>>
    %dma_start3A_263 = arith.constant 0 : i32
    %dma_start3A_264 = arith.constant 0 : i32
    %dma_start3A_265 = tpu.memref_slice %arg17[%dma_start3A_263, %dma_start3A_264] : memref<64x128xf32, #tpu.memory_space<vmem_shared>> -> memref<64x128xf32, #tpu.memory_space<vmem_shared>>
    tpu.enqueue_indirect_dma source(%dma_start3A_265 : memref<64x128xf32, #tpu.memory_space<vmem_shared>>) target(%dma_start3A_260 : memref<80x128xf32, #tpu.memory_space<vmem>>) offsets(%dma_start3A_262 : memref<80xi32, #tpu.memory_space<vmem>>) semaphore(%arg20 : memref<!tpu.dma_semaphore, #tpu.memory_space<semaphore_mem>>)
    %dma_start3A_266 = arith.constant 80 : i32
    %dma_start3A_267 = arith.constant 0 : i32
    %dma_start3A_268 = tpu.memref_slice %arg15[%dma_start3A_266, %dma_start3A_267] : memref<400x128xf32, #tpu.memory_space<vmem>> -> memref<80x128xf32, #tpu.memory_space<vmem>>
    %dma_start3A_269 = arith.constant 80 : i32
    %dma_start3A_270 = tpu.memref_slice %arg10[%dma_start3A_269] : memref<400xi32, #tpu.memory_space<vmem>> -> memref<80xi32, #tpu.memory_space<vmem>>
    %dma_start3A_271 = arith.constant 0 : i32
    %dma_start3A_272 = arith.constant 0 : i32
    %dma_start3A_273 = tpu.memref_slice %arg17[%dma_start3A_271, %dma_start3A_272] : memref<64x128xf32, #tpu.memory_space<vmem_shared>> -> memref<64x128xf32, #tpu.memory_space<vmem_shared>>
    tpu.enqueue_indirect_dma source(%dma_start3A_273 : memref<64x128xf32, #tpu.memory_space<vmem_shared>>) target(%dma_start3A_268 : memref<80x128xf32, #tpu.memory_space<vmem>>) offsets(%dma_start3A_270 : memref<80xi32, #tpu.memory_space<vmem>>) semaphore(%arg20 : memref<!tpu.dma_semaphore, #tpu.memory_space<semaphore_mem>>)
    %dma_start3A_274 = arith.constant 160 : i32
    %dma_start3A_275 = arith.constant 0 : i32
    %dma_start3A_276 = tpu.memref_slice %arg15[%dma_start3A_274, %dma_start3A_275] : memref<400x128xf32, #tpu.memory_space<vmem>> -> memref<80x128xf32, #tpu.memory_space<vmem>>
    %dma_start3A_277 = arith.constant 160 : i32
    %dma_start3A_278 = tpu.memref_slice %arg10[%dma_start3A_277] : memref<400xi32, #tpu.memory_space<vmem>> -> memref<80xi32, #tpu.memory_space<vmem>>
    %dma_start3A_279 = arith.constant 0 : i32
    %dma_start3A_280 = arith.constant 0 : i32
    %dma_start3A_281 = tpu.memref_slice %arg17[%dma_start3A_279, %dma_start3A_280] : memref<64x128xf32, #tpu.memory_space<vmem_shared>> -> memref<64x128xf32, #tpu.memory_space<vmem_shared>>
    tpu.enqueue_indirect_dma source(%dma_start3A_281 : memref<64x128xf32, #tpu.memory_space<vmem_shared>>) target(%dma_start3A_276 : memref<80x128xf32, #tpu.memory_space<vmem>>) offsets(%dma_start3A_278 : memref<80xi32, #tpu.memory_space<vmem>>) semaphore(%arg20 : memref<!tpu.dma_semaphore, #tpu.memory_space<semaphore_mem>>)
    %dma_start3A_282 = arith.constant 240 : i32
    %dma_start3A_283 = arith.constant 0 : i32
    %dma_start3A_284 = tpu.memref_slice %arg15[%dma_start3A_282, %dma_start3A_283] : memref<400x128xf32, #tpu.memory_space<vmem>> -> memref<80x128xf32, #tpu.memory_space<vmem>>
    %dma_start3A_285 = arith.constant 240 : i32
    %dma_start3A_286 = tpu.memref_slice %arg10[%dma_start3A_285] : memref<400xi32, #tpu.memory_space<vmem>> -> memref<80xi32, #tpu.memory_space<vmem>>
    %dma_start3A_287 = arith.constant 0 : i32
    %dma_start3A_288 = arith.constant 0 : i32
    %dma_start3A_289 = tpu.memref_slice %arg17[%dma_start3A_287, %dma_start3A_288] : memref<64x128xf32, #tpu.memory_space<vmem_shared>> -> memref<64x128xf32, #tpu.memory_space<vmem_shared>>
    tpu.enqueue_indirect_dma source(%dma_start3A_289 : memref<64x128xf32, #tpu.memory_space<vmem_shared>>) target(%dma_start3A_284 : memref<80x128xf32, #tpu.memory_space<vmem>>) offsets(%dma_start3A_286 : memref<80xi32, #tpu.memory_space<vmem>>) semaphore(%arg20 : memref<!tpu.dma_semaphore, #tpu.memory_space<semaphore_mem>>)
    %dma_start3A_290 = arith.constant 320 : i32
    %dma_start3A_291 = arith.constant 0 : i32
    %dma_start3A_292 = tpu.memref_slice %arg15[%dma_start3A_290, %dma_start3A_291] : memref<400x128xf32, #tpu.memory_space<vmem>> -> memref<80x128xf32, #tpu.memory_space<vmem>>
    %dma_start3A_293 = arith.constant 320 : i32
    %dma_start3A_294 = tpu.memref_slice %arg10[%dma_start3A_293] : memref<400xi32, #tpu.memory_space<vmem>> -> memref<80xi32, #tpu.memory_space<vmem>>
    %dma_start3A_295 = arith.constant 0 : i32
    %dma_start3A_296 = arith.constant 0 : i32
    %dma_start3A_297 = tpu.memref_slice %arg17[%dma_start3A_295, %dma_start3A_296] : memref<64x128xf32, #tpu.memory_space<vmem_shared>> -> memref<64x128xf32, #tpu.memory_space<vmem_shared>>
    tpu.enqueue_indirect_dma source(%dma_start3A_297 : memref<64x128xf32, #tpu.memory_space<vmem_shared>>) target(%dma_start3A_292 : memref<80x128xf32, #tpu.memory_space<vmem>>) offsets(%dma_start3A_294 : memref<80xi32, #tpu.memory_space<vmem>>) semaphore(%arg20 : memref<!tpu.dma_semaphore, #tpu.memory_space<semaphore_mem>>)
    %dma_wait3A_298 = arith.constant 0 : i32
    %dma_wait3A_299 = arith.constant 0 : i32
    %dma_wait3A_300 = tpu.memref_slice %arg15[%dma_wait3A_298, %dma_wait3A_299] : memref<400x128xf32, #tpu.memory_space<vmem>> -> memref<80x128xf32, #tpu.memory_space<vmem>>
    %dma_wait3A_301 = arith.constant 0 : i32
    %dma_wait3A_302 = tpu.memref_slice %arg10[%dma_wait3A_301] : memref<400xi32, #tpu.memory_space<vmem>> -> memref<80xi32, #tpu.memory_space<vmem>>
    %dma_wait3A_303 = arith.constant 0 : i32
    %dma_wait3A_304 = arith.constant 0 : i32
    %dma_wait3A_305 = tpu.memref_slice %arg17[%dma_wait3A_303, %dma_wait3A_304] : memref<64x128xf32, #tpu.memory_space<vmem_shared>> -> memref<64x128xf32, #tpu.memory_space<vmem_shared>>
    tpu.wait_indirect_dma semaphore(%arg20 : memref<!tpu.dma_semaphore, #tpu.memory_space<semaphore_mem>>) src(%dma_wait3A_305 : memref<64x128xf32, #tpu.memory_space<vmem_shared>>) dst(%dma_wait3A_300 : memref<80x128xf32, #tpu.memory_space<vmem>>)
    %dma_wait3A_306 = arith.constant 80 : i32
    %dma_wait3A_307 = arith.constant 0 : i32
    %dma_wait3A_308 = tpu.memref_slice %arg15[%dma_wait3A_306, %dma_wait3A_307] : memref<400x128xf32, #tpu.memory_space<vmem>> -> memref<80x128xf32, #tpu.memory_space<vmem>>
    %dma_wait3A_309 = arith.constant 80 : i32
    %dma_wait3A_310 = tpu.memref_slice %arg10[%dma_wait3A_309] : memref<400xi32, #tpu.memory_space<vmem>> -> memref<80xi32, #tpu.memory_space<vmem>>
    %dma_wait3A_311 = arith.constant 0 : i32
    %dma_wait3A_312 = arith.constant 0 : i32
    %dma_wait3A_313 = tpu.memref_slice %arg17[%dma_wait3A_311, %dma_wait3A_312] : memref<64x128xf32, #tpu.memory_space<vmem_shared>> -> memref<64x128xf32, #tpu.memory_space<vmem_shared>>
    tpu.wait_indirect_dma semaphore(%arg20 : memref<!tpu.dma_semaphore, #tpu.memory_space<semaphore_mem>>) src(%dma_wait3A_313 : memref<64x128xf32, #tpu.memory_space<vmem_shared>>) dst(%dma_wait3A_308 : memref<80x128xf32, #tpu.memory_space<vmem>>)
    %dma_wait3A_314 = arith.constant 160 : i32
    %dma_wait3A_315 = arith.constant 0 : i32
    %dma_wait3A_316 = tpu.memref_slice %arg15[%dma_wait3A_314, %dma_wait3A_315] : memref<400x128xf32, #tpu.memory_space<vmem>> -> memref<80x128xf32, #tpu.memory_space<vmem>>
    %dma_wait3A_317 = arith.constant 160 : i32
    %dma_wait3A_318 = tpu.memref_slice %arg10[%dma_wait3A_317] : memref<400xi32, #tpu.memory_space<vmem>> -> memref<80xi32, #tpu.memory_space<vmem>>
    %dma_wait3A_319 = arith.constant 0 : i32
    %dma_wait3A_320 = arith.constant 0 : i32
    %dma_wait3A_321 = tpu.memref_slice %arg17[%dma_wait3A_319, %dma_wait3A_320] : memref<64x128xf32, #tpu.memory_space<vmem_shared>> -> memref<64x128xf32, #tpu.memory_space<vmem_shared>>
    tpu.wait_indirect_dma semaphore(%arg20 : memref<!tpu.dma_semaphore, #tpu.memory_space<semaphore_mem>>) src(%dma_wait3A_321 : memref<64x128xf32, #tpu.memory_space<vmem_shared>>) dst(%dma_wait3A_316 : memref<80x128xf32, #tpu.memory_space<vmem>>)
    %dma_wait3A_322 = arith.constant 240 : i32
    %dma_wait3A_323 = arith.constant 0 : i32
    %dma_wait3A_324 = tpu.memref_slice %arg15[%dma_wait3A_322, %dma_wait3A_323] : memref<400x128xf32, #tpu.memory_space<vmem>> -> memref<80x128xf32, #tpu.memory_space<vmem>>
    %dma_wait3A_325 = arith.constant 240 : i32
    %dma_wait3A_326 = tpu.memref_slice %arg10[%dma_wait3A_325] : memref<400xi32, #tpu.memory_space<vmem>> -> memref<80xi32, #tpu.memory_space<vmem>>
    %dma_wait3A_327 = arith.constant 0 : i32
    %dma_wait3A_328 = arith.constant 0 : i32
    %dma_wait3A_329 = tpu.memref_slice %arg17[%dma_wait3A_327, %dma_wait3A_328] : memref<64x128xf32, #tpu.memory_space<vmem_shared>> -> memref<64x128xf32, #tpu.memory_space<vmem_shared>>
    tpu.wait_indirect_dma semaphore(%arg20 : memref<!tpu.dma_semaphore, #tpu.memory_space<semaphore_mem>>) src(%dma_wait3A_329 : memref<64x128xf32, #tpu.memory_space<vmem_shared>>) dst(%dma_wait3A_324 : memref<80x128xf32, #tpu.memory_space<vmem>>)
    %dma_wait3A_330 = arith.constant 320 : i32
    %dma_wait3A_331 = arith.constant 0 : i32
    %dma_wait3A_332 = tpu.memref_slice %arg15[%dma_wait3A_330, %dma_wait3A_331] : memref<400x128xf32, #tpu.memory_space<vmem>> -> memref<80x128xf32, #tpu.memory_space<vmem>>
    %dma_wait3A_333 = arith.constant 320 : i32
    %dma_wait3A_334 = tpu.memref_slice %arg10[%dma_wait3A_333] : memref<400xi32, #tpu.memory_space<vmem>> -> memref<80xi32, #tpu.memory_space<vmem>>
    %dma_wait3A_335 = arith.constant 0 : i32
    %dma_wait3A_336 = arith.constant 0 : i32
    %dma_wait3A_337 = tpu.memref_slice %arg17[%dma_wait3A_335, %dma_wait3A_336] : memref<64x128xf32, #tpu.memory_space<vmem_shared>> -> memref<64x128xf32, #tpu.memory_space<vmem_shared>>
    tpu.wait_indirect_dma semaphore(%arg20 : memref<!tpu.dma_semaphore, #tpu.memory_space<semaphore_mem>>) src(%dma_wait3A_337 : memref<64x128xf32, #tpu.memory_space<vmem_shared>>) dst(%dma_wait3A_332 : memref<80x128xf32, #tpu.memory_space<vmem>>)
    %dma_start3A_338 = arith.constant 0 : i32
    %dma_start3A_339 = tpu.memref_slice %arg6[%add3A_238, %dma_start3A_338] : memref<1600000x128xf32, #tpu.memory_space<hbm>> -> memref<400x128xf32, #tpu.memory_space<hbm>>
    %dma_start3A_340 = arith.constant 0 : i32
    %dma_start3A_341 = tpu.memref_slice %arg6[%add3A_238, %dma_start3A_340] : memref<1600000x128xf32, #tpu.memory_space<hbm>> -> memref<400x128xf32, #tpu.memory_space<hbm>>
    tpu.enqueue_dma source(%arg15 : memref<400x128xf32, #tpu.memory_space<vmem>>) target(%dma_start3A_341 : memref<400x128xf32, #tpu.memory_space<hbm>>) target_semaphore(%arg22 : memref<!tpu.dma_semaphore, #tpu.memory_space<semaphore_mem>>)
    %add3A_342 = arith.constant 49200 : i32
    %add3A_343 = arith.addi %mul3A_2, %add3A_342 : i32
    %dma_wait3A_344 = arith.constant 0 : i32
    %dma_wait3A_345 = tpu.memref_slice %arg6[%add3A_343, %dma_wait3A_344] : memref<1600000x128xf32, #tpu.memory_space<hbm>> -> memref<400x128xf32, #tpu.memory_space<hbm>>
    %dma_wait3A_346 = arith.constant 0 : i32
    %dma_wait3A_347 = tpu.memref_slice %arg6[%add3A_343, %dma_wait3A_346] : memref<1600000x128xf32, #tpu.memory_space<hbm>> -> memref<400x128xf32, #tpu.memory_space<hbm>>
    tpu.wait_dma2 semaphore(%arg23 : memref<!tpu.dma_semaphore, #tpu.memory_space<semaphore_mem>>) src(%arg16 : memref<400x128xf32, #tpu.memory_space<vmem>>) dst(%dma_wait3A_347 : memref<400x128xf32, #tpu.memory_space<hbm>>)
    %add3A_348 = arith.constant 49600 : i32
    %add3A_349 = arith.addi %mul3A_2, %add3A_348 : i32
    %dma_wait3A_350 = arith.constant 0 : i32
    %dma_wait3A_351 = tpu.memref_slice %arg6[%add3A_349, %dma_wait3A_350] : memref<1600000x128xf32, #tpu.memory_space<hbm>> -> memref<400x128xf32, #tpu.memory_space<hbm>>
    %dma_wait3A_352 = arith.constant 0 : i32
    %dma_wait3A_353 = tpu.memref_slice %arg6[%add3A_349, %dma_wait3A_352] : memref<1600000x128xf32, #tpu.memory_space<hbm>> -> memref<400x128xf32, #tpu.memory_space<hbm>>
    tpu.wait_dma2 semaphore(%arg22 : memref<!tpu.dma_semaphore, #tpu.memory_space<semaphore_mem>>) src(%arg15 : memref<400x128xf32, #tpu.memory_space<vmem>>) dst(%dma_wait3A_353 : memref<400x128xf32, #tpu.memory_space<hbm>>)
    return
  }
}

module attributes {stable_mosaic.version = 14 : i64} {
  func.func @body(%arg0: memref<3x32xf32, #tpu.memory_space<vmem>>, %arg1: memref<3x32xf32, #tpu.memory_space<vmem>>, %arg2: memref<7x32xf32, #tpu.memory_space<vmem>>, %arg3: memref<64x128xf32, #tpu.memory_space<vmem>>) attributes {dimension_semantics = [], scalar_prefetch = 0 : i64, scratch_operands = 0 : i64, tpu.core_type = #tpu.core_type<tc>} {
    %iota3A = tpu.iota {dimensions = array<i32: 0>} : vector<64x1xi32>
    %jit3A = arith.constant 21 : i32
    %div3A = vector.broadcast %jit3A : i32 to vector<64x1xi32>
    %div3A_0 = arith.divsi %iota3A, %div3A : vector<64x1xi32>
    %sign3A = arith.constant 0 : i32
    %sign3A_1 = vector.broadcast %sign3A : i32 to vector<64x1xi32>
    %sign3A_2 = arith.cmpi sgt, %iota3A, %sign3A_1 : vector<64x1xi32>
    %sign3A_3 = arith.extui %sign3A_2 : vector<64x1xi1> to vector<64x1xi32>
    %sign3A_4 = arith.constant 0 : i32
    %sign3A_5 = vector.broadcast %sign3A_4 : i32 to vector<64x1xi32>
    %sign3A_6 = arith.cmpi slt, %iota3A, %sign3A_5 : vector<64x1xi32>
    %sign3A_7 = arith.extui %sign3A_6 : vector<64x1xi1> to vector<64x1xi32>
    %sign3A_8 = arith.subi %sign3A_3, %sign3A_7 : vector<64x1xi32>
    %sign3A_9 = arith.constant 0 : i32
    %sign3A_10 = arith.cmpi sgt, %jit3A, %sign3A_9 : i32
    %sign3A_11 = arith.extui %sign3A_10 : i1 to i32
    %sign3A_12 = arith.constant 0 : i32
    %sign3A_13 = arith.cmpi slt, %jit3A, %sign3A_12 : i32
    %sign3A_14 = arith.extui %sign3A_13 : i1 to i32
    %sign3A_15 = arith.subi %sign3A_11, %sign3A_14 : i32
    %ne3A = vector.broadcast %sign3A_15 : i32 to vector<64x1xi32>
    %ne3A_16 = arith.cmpi ne, %sign3A_8, %ne3A : vector<64x1xi32>
    %rem3A = vector.broadcast %jit3A : i32 to vector<64x1xi32>
    %rem3A_17 = arith.remsi %iota3A, %rem3A : vector<64x1xi32>
    %ne3A_18 = arith.constant 0 : i32
    %ne3A_19 = vector.broadcast %ne3A_18 : i32 to vector<64x1xi32>
    %ne3A_20 = arith.cmpi ne, %rem3A_17, %ne3A_19 : vector<64x1xi32>
    %and3A = arith.andi %ne3A_16, %ne3A_20 : vector<64x1xi1>
    %sub3A = arith.constant 1 : i32
    %sub3A_21 = vector.broadcast %sub3A : i32 to vector<64x1xi32>
    %sub3A_22 = arith.subi %div3A_0, %sub3A_21 : vector<64x1xi32>
    %select_n3A = arith.select %and3A, %sub3A_22, %div3A_0 : vector<64x1xi1>, vector<64x1xi32>
    %jit3A_23 = arith.constant 7 : i32
    %div3A_24 = vector.broadcast %jit3A_23 : i32 to vector<64x1xi32>
    %div3A_25 = arith.divsi %iota3A, %div3A_24 : vector<64x1xi32>
    %sign3A_26 = arith.constant 0 : i32
    %sign3A_27 = vector.broadcast %sign3A_26 : i32 to vector<64x1xi32>
    %sign3A_28 = arith.cmpi sgt, %iota3A, %sign3A_27 : vector<64x1xi32>
    %sign3A_29 = arith.extui %sign3A_28 : vector<64x1xi1> to vector<64x1xi32>
    %sign3A_30 = arith.constant 0 : i32
    %sign3A_31 = vector.broadcast %sign3A_30 : i32 to vector<64x1xi32>
    %sign3A_32 = arith.cmpi slt, %iota3A, %sign3A_31 : vector<64x1xi32>
    %sign3A_33 = arith.extui %sign3A_32 : vector<64x1xi1> to vector<64x1xi32>
    %sign3A_34 = arith.subi %sign3A_29, %sign3A_33 : vector<64x1xi32>
    %sign3A_35 = arith.constant 0 : i32
    %sign3A_36 = arith.cmpi sgt, %jit3A_23, %sign3A_35 : i32
    %sign3A_37 = arith.extui %sign3A_36 : i1 to i32
    %sign3A_38 = arith.constant 0 : i32
    %sign3A_39 = arith.cmpi slt, %jit3A_23, %sign3A_38 : i32
    %sign3A_40 = arith.extui %sign3A_39 : i1 to i32
    %sign3A_41 = arith.subi %sign3A_37, %sign3A_40 : i32
    %ne3A_42 = vector.broadcast %sign3A_41 : i32 to vector<64x1xi32>
    %ne3A_43 = arith.cmpi ne, %sign3A_34, %ne3A_42 : vector<64x1xi32>
    %rem3A_44 = vector.broadcast %jit3A_23 : i32 to vector<64x1xi32>
    %rem3A_45 = arith.remsi %iota3A, %rem3A_44 : vector<64x1xi32>
    %ne3A_46 = arith.constant 0 : i32
    %ne3A_47 = vector.broadcast %ne3A_46 : i32 to vector<64x1xi32>
    %ne3A_48 = arith.cmpi ne, %rem3A_45, %ne3A_47 : vector<64x1xi32>
    %and3A_49 = arith.andi %ne3A_43, %ne3A_48 : vector<64x1xi1>
    %sub3A_50 = arith.constant 1 : i32
    %sub3A_51 = vector.broadcast %sub3A_50 : i32 to vector<64x1xi32>
    %sub3A_52 = arith.subi %div3A_25, %sub3A_51 : vector<64x1xi32>
    %select_n3A_53 = arith.select %and3A_49, %sub3A_52, %div3A_25 : vector<64x1xi1>, vector<64x1xi32>
    %jit3A_54 = arith.constant 3 : i32
    %eq3A = arith.constant 0 : i32
    %eq3A_55 = arith.cmpi eq, %jit3A_54, %eq3A : i32
    %jit3A_56 = arith.constant 1 : i32
    %select_n3A_57 = arith.select %eq3A_55, %jit3A_56, %jit3A_54 : i32
    %rem3A_58 = vector.broadcast %select_n3A_57 : i32 to vector<64x1xi32>
    %rem3A_59 = arith.remsi %select_n3A_53, %rem3A_58 : vector<64x1xi32>
    %ne3A_60 = arith.constant 0 : i32
    %ne3A_61 = vector.broadcast %ne3A_60 : i32 to vector<64x1xi32>
    %ne3A_62 = arith.cmpi ne, %rem3A_59, %ne3A_61 : vector<64x1xi32>
    %lt3A = arith.constant 0 : i32
    %lt3A_63 = vector.broadcast %lt3A : i32 to vector<64x1xi32>
    %lt3A_64 = arith.cmpi slt, %rem3A_59, %lt3A_63 : vector<64x1xi32>
    %lt3A_65 = arith.constant 0 : i32
    %lt3A_66 = arith.cmpi slt, %select_n3A_57, %lt3A_65 : i32
    %ne3A_67 = vector.broadcast %lt3A_66 : i1 to vector<64x1xi1>
    %ne3A_68 = vector.broadcast %ne3A_67 : vector<64x1xi1> to vector<64x1xi1>
    %ne3A_69 = arith.xori %lt3A_64, %ne3A_68 : vector<64x1xi1>
    %and3A_70 = arith.andi %ne3A_69, %ne3A_62 : vector<64x1xi1>
    %add3A = vector.broadcast %select_n3A_57 : i32 to vector<64x1xi32>
    %add3A_71 = arith.addi %rem3A_59, %add3A : vector<64x1xi32>
    %select_n3A_72 = arith.select %and3A_70, %add3A_71, %rem3A_59 : vector<64x1xi1>, vector<64x1xi32>
    %jit3A_73 = arith.constant 7 : i32
    %eq3A_74 = arith.constant 0 : i32
    %eq3A_75 = arith.cmpi eq, %jit3A_73, %eq3A_74 : i32
    %jit3A_76 = arith.constant 1 : i32
    %select_n3A_77 = arith.select %eq3A_75, %jit3A_76, %jit3A_73 : i32
    %rem3A_78 = vector.broadcast %select_n3A_77 : i32 to vector<64x1xi32>
    %rem3A_79 = arith.remsi %iota3A, %rem3A_78 : vector<64x1xi32>
    %ne3A_80 = arith.constant 0 : i32
    %ne3A_81 = vector.broadcast %ne3A_80 : i32 to vector<64x1xi32>
    %ne3A_82 = arith.cmpi ne, %rem3A_79, %ne3A_81 : vector<64x1xi32>
    %lt3A_83 = arith.constant 0 : i32
    %lt3A_84 = vector.broadcast %lt3A_83 : i32 to vector<64x1xi32>
    %lt3A_85 = arith.cmpi slt, %rem3A_79, %lt3A_84 : vector<64x1xi32>
    %lt3A_86 = arith.constant 0 : i32
    %lt3A_87 = arith.cmpi slt, %select_n3A_77, %lt3A_86 : i32
    %ne3A_88 = vector.broadcast %lt3A_87 : i1 to vector<64x1xi1>
    %ne3A_89 = vector.broadcast %ne3A_88 : vector<64x1xi1> to vector<64x1xi1>
    %ne3A_90 = arith.xori %lt3A_85, %ne3A_89 : vector<64x1xi1>
    %and3A_91 = arith.andi %ne3A_90, %ne3A_82 : vector<64x1xi1>
    %add3A_92 = vector.broadcast %select_n3A_77 : i32 to vector<64x1xi32>
    %add3A_93 = arith.addi %rem3A_79, %add3A_92 : vector<64x1xi32>
    %select_n3A_94 = arith.select %and3A_91, %add3A_93, %rem3A_79 : vector<64x1xi1>, vector<64x1xi32>
    %broadcast_in_dim3A = arith.constant 0.000000e+00 : f32
    %broadcast_in_dim3A_95 = vector.broadcast %broadcast_in_dim3A : f32 to vector<64x32xf32>
    %broadcast_in_dim3A_96 = arith.constant 0.000000e+00 : f32
    %broadcast_in_dim3A_97 = vector.broadcast %broadcast_in_dim3A_96 : f32 to vector<64x32xf32>
    %broadcast_in_dim3A_98 = arith.constant 0.000000e+00 : f32
    %broadcast_in_dim3A_99 = vector.broadcast %broadcast_in_dim3A_98 : f32 to vector<64x32xf32>
    %eq3A_100 = arith.constant 0 : i32
    %eq3A_101 = vector.broadcast %eq3A_100 : i32 to vector<64x1xi32>
    %eq3A_102 = arith.cmpi eq, %select_n3A, %eq3A_101 : vector<64x1xi32>
    %jit3A_103 = arith.constant 1.000000e+00 : f32
    %jit3A_104 = arith.constant 0.000000e+00 : f32
    %broadcast_in_dim3A_105 = vector.broadcast %jit3A_103 : f32 to vector<64x1xf32>
    %broadcast_in_dim3A_106 = vector.broadcast %jit3A_104 : f32 to vector<64x1xf32>
    %select_n3A_107 = arith.select %eq3A_102, %broadcast_in_dim3A_105, %broadcast_in_dim3A_106 : vector<64x1xi1>, vector<64x1xf32>
    %get3A = arith.constant 0 : index
    %get3A_108 = arith.constant 0 : index
    %get3A_109 = vector.load %arg0[%get3A, %get3A_108] : memref<3x32xf32, #tpu.memory_space<vmem>>, vector<1x32xf32>
    %get3A_110 = vector.shape_cast %get3A_109 : vector<1x32xf32> to vector<32xf32>
    %broadcast_in_dim3A_111 = vector.shape_cast %get3A_110 : vector<32xf32> to vector<1x32xf32>
    %mul3A = vector.broadcast %select_n3A_107 : vector<64x1xf32> to vector<64x32xf32>
    %mul3A_112 = vector.broadcast %broadcast_in_dim3A_111 : vector<1x32xf32> to vector<64x32xf32>
    %mul3A_113 = arith.mulf %mul3A, %mul3A_112 : vector<64x32xf32>
    %add3A_114 = arith.addf %broadcast_in_dim3A_95, %mul3A_113 : vector<64x32xf32>
    %eq3A_115 = arith.constant 0 : i32
    %eq3A_116 = vector.broadcast %eq3A_115 : i32 to vector<64x1xi32>
    %eq3A_117 = arith.cmpi eq, %select_n3A_72, %eq3A_116 : vector<64x1xi32>
    %jit3A_118 = arith.constant 1.000000e+00 : f32
    %jit3A_119 = arith.constant 0.000000e+00 : f32
    %broadcast_in_dim3A_120 = vector.broadcast %jit3A_118 : f32 to vector<64x1xf32>
    %broadcast_in_dim3A_121 = vector.broadcast %jit3A_119 : f32 to vector<64x1xf32>
    %select_n3A_122 = arith.select %eq3A_117, %broadcast_in_dim3A_120, %broadcast_in_dim3A_121 : vector<64x1xi1>, vector<64x1xf32>
    %get3A_123 = arith.constant 0 : index
    %get3A_124 = arith.constant 0 : index
    %get3A_125 = vector.load %arg1[%get3A_123, %get3A_124] : memref<3x32xf32, #tpu.memory_space<vmem>>, vector<1x32xf32>
    %get3A_126 = vector.shape_cast %get3A_125 : vector<1x32xf32> to vector<32xf32>
    %broadcast_in_dim3A_127 = vector.shape_cast %get3A_126 : vector<32xf32> to vector<1x32xf32>
    %mul3A_128 = vector.broadcast %select_n3A_122 : vector<64x1xf32> to vector<64x32xf32>
    %mul3A_129 = vector.broadcast %broadcast_in_dim3A_127 : vector<1x32xf32> to vector<64x32xf32>
    %mul3A_130 = arith.mulf %mul3A_128, %mul3A_129 : vector<64x32xf32>
    %add3A_131 = arith.addf %broadcast_in_dim3A_97, %mul3A_130 : vector<64x32xf32>
    %eq3A_132 = arith.constant 1 : i32
    %eq3A_133 = vector.broadcast %eq3A_132 : i32 to vector<64x1xi32>
    %eq3A_134 = arith.cmpi eq, %select_n3A, %eq3A_133 : vector<64x1xi32>
    %jit3A_135 = arith.constant 1.000000e+00 : f32
    %jit3A_136 = arith.constant 0.000000e+00 : f32
    %broadcast_in_dim3A_137 = vector.broadcast %jit3A_135 : f32 to vector<64x1xf32>
    %broadcast_in_dim3A_138 = vector.broadcast %jit3A_136 : f32 to vector<64x1xf32>
    %select_n3A_139 = arith.select %eq3A_134, %broadcast_in_dim3A_137, %broadcast_in_dim3A_138 : vector<64x1xi1>, vector<64x1xf32>
    %get3A_140 = arith.constant 1 : index
    %get3A_141 = arith.constant 0 : index
    %get3A_142 = vector.load %arg0[%get3A_140, %get3A_141] : memref<3x32xf32, #tpu.memory_space<vmem>>, vector<1x32xf32>
    %get3A_143 = vector.shape_cast %get3A_142 : vector<1x32xf32> to vector<32xf32>
    %broadcast_in_dim3A_144 = vector.shape_cast %get3A_143 : vector<32xf32> to vector<1x32xf32>
    %mul3A_145 = vector.broadcast %select_n3A_139 : vector<64x1xf32> to vector<64x32xf32>
    %mul3A_146 = vector.broadcast %broadcast_in_dim3A_144 : vector<1x32xf32> to vector<64x32xf32>
    %mul3A_147 = arith.mulf %mul3A_145, %mul3A_146 : vector<64x32xf32>
    %add3A_148 = arith.addf %add3A_114, %mul3A_147 : vector<64x32xf32>
    %eq3A_149 = arith.constant 1 : i32
    %eq3A_150 = vector.broadcast %eq3A_149 : i32 to vector<64x1xi32>
    %eq3A_151 = arith.cmpi eq, %select_n3A_72, %eq3A_150 : vector<64x1xi32>
    %jit3A_152 = arith.constant 1.000000e+00 : f32
    %jit3A_153 = arith.constant 0.000000e+00 : f32
    %broadcast_in_dim3A_154 = vector.broadcast %jit3A_152 : f32 to vector<64x1xf32>
    %broadcast_in_dim3A_155 = vector.broadcast %jit3A_153 : f32 to vector<64x1xf32>
    %select_n3A_156 = arith.select %eq3A_151, %broadcast_in_dim3A_154, %broadcast_in_dim3A_155 : vector<64x1xi1>, vector<64x1xf32>
    %get3A_157 = arith.constant 1 : index
    %get3A_158 = arith.constant 0 : index
    %get3A_159 = vector.load %arg1[%get3A_157, %get3A_158] : memref<3x32xf32, #tpu.memory_space<vmem>>, vector<1x32xf32>
    %get3A_160 = vector.shape_cast %get3A_159 : vector<1x32xf32> to vector<32xf32>
    %broadcast_in_dim3A_161 = vector.shape_cast %get3A_160 : vector<32xf32> to vector<1x32xf32>
    %mul3A_162 = vector.broadcast %select_n3A_156 : vector<64x1xf32> to vector<64x32xf32>
    %mul3A_163 = vector.broadcast %broadcast_in_dim3A_161 : vector<1x32xf32> to vector<64x32xf32>
    %mul3A_164 = arith.mulf %mul3A_162, %mul3A_163 : vector<64x32xf32>
    %add3A_165 = arith.addf %add3A_131, %mul3A_164 : vector<64x32xf32>
    %eq3A_166 = arith.constant 2 : i32
    %eq3A_167 = vector.broadcast %eq3A_166 : i32 to vector<64x1xi32>
    %eq3A_168 = arith.cmpi eq, %select_n3A, %eq3A_167 : vector<64x1xi32>
    %jit3A_169 = arith.constant 1.000000e+00 : f32
    %jit3A_170 = arith.constant 0.000000e+00 : f32
    %broadcast_in_dim3A_171 = vector.broadcast %jit3A_169 : f32 to vector<64x1xf32>
    %broadcast_in_dim3A_172 = vector.broadcast %jit3A_170 : f32 to vector<64x1xf32>
    %select_n3A_173 = arith.select %eq3A_168, %broadcast_in_dim3A_171, %broadcast_in_dim3A_172 : vector<64x1xi1>, vector<64x1xf32>
    %get3A_174 = arith.constant 2 : index
    %get3A_175 = arith.constant 0 : index
    %get3A_176 = vector.load %arg0[%get3A_174, %get3A_175] : memref<3x32xf32, #tpu.memory_space<vmem>>, vector<1x32xf32>
    %get3A_177 = vector.shape_cast %get3A_176 : vector<1x32xf32> to vector<32xf32>
    %broadcast_in_dim3A_178 = vector.shape_cast %get3A_177 : vector<32xf32> to vector<1x32xf32>
    %mul3A_179 = vector.broadcast %select_n3A_173 : vector<64x1xf32> to vector<64x32xf32>
    %mul3A_180 = vector.broadcast %broadcast_in_dim3A_178 : vector<1x32xf32> to vector<64x32xf32>
    %mul3A_181 = arith.mulf %mul3A_179, %mul3A_180 : vector<64x32xf32>
    %add3A_182 = arith.addf %add3A_148, %mul3A_181 : vector<64x32xf32>
    %eq3A_183 = arith.constant 2 : i32
    %eq3A_184 = vector.broadcast %eq3A_183 : i32 to vector<64x1xi32>
    %eq3A_185 = arith.cmpi eq, %select_n3A_72, %eq3A_184 : vector<64x1xi32>
    %jit3A_186 = arith.constant 1.000000e+00 : f32
    %jit3A_187 = arith.constant 0.000000e+00 : f32
    %broadcast_in_dim3A_188 = vector.broadcast %jit3A_186 : f32 to vector<64x1xf32>
    %broadcast_in_dim3A_189 = vector.broadcast %jit3A_187 : f32 to vector<64x1xf32>
    %select_n3A_190 = arith.select %eq3A_185, %broadcast_in_dim3A_188, %broadcast_in_dim3A_189 : vector<64x1xi1>, vector<64x1xf32>
    %get3A_191 = arith.constant 2 : index
    %get3A_192 = arith.constant 0 : index
    %get3A_193 = vector.load %arg1[%get3A_191, %get3A_192] : memref<3x32xf32, #tpu.memory_space<vmem>>, vector<1x32xf32>
    %get3A_194 = vector.shape_cast %get3A_193 : vector<1x32xf32> to vector<32xf32>
    %broadcast_in_dim3A_195 = vector.shape_cast %get3A_194 : vector<32xf32> to vector<1x32xf32>
    %mul3A_196 = vector.broadcast %select_n3A_190 : vector<64x1xf32> to vector<64x32xf32>
    %mul3A_197 = vector.broadcast %broadcast_in_dim3A_195 : vector<1x32xf32> to vector<64x32xf32>
    %mul3A_198 = arith.mulf %mul3A_196, %mul3A_197 : vector<64x32xf32>
    %add3A_199 = arith.addf %add3A_165, %mul3A_198 : vector<64x32xf32>
    %eq3A_200 = arith.constant 0 : i32
    %eq3A_201 = vector.broadcast %eq3A_200 : i32 to vector<64x1xi32>
    %eq3A_202 = arith.cmpi eq, %select_n3A_94, %eq3A_201 : vector<64x1xi32>
    %jit3A_203 = arith.constant 1.000000e+00 : f32
    %jit3A_204 = arith.constant 0.000000e+00 : f32
    %broadcast_in_dim3A_205 = vector.broadcast %jit3A_203 : f32 to vector<64x1xf32>
    %broadcast_in_dim3A_206 = vector.broadcast %jit3A_204 : f32 to vector<64x1xf32>
    %select_n3A_207 = arith.select %eq3A_202, %broadcast_in_dim3A_205, %broadcast_in_dim3A_206 : vector<64x1xi1>, vector<64x1xf32>
    %get3A_208 = arith.constant 0 : index
    %get3A_209 = arith.constant 0 : index
    %get3A_210 = vector.load %arg2[%get3A_208, %get3A_209] : memref<7x32xf32, #tpu.memory_space<vmem>>, vector<1x32xf32>
    %get3A_211 = vector.shape_cast %get3A_210 : vector<1x32xf32> to vector<32xf32>
    %broadcast_in_dim3A_212 = vector.shape_cast %get3A_211 : vector<32xf32> to vector<1x32xf32>
    %mul3A_213 = vector.broadcast %select_n3A_207 : vector<64x1xf32> to vector<64x32xf32>
    %mul3A_214 = vector.broadcast %broadcast_in_dim3A_212 : vector<1x32xf32> to vector<64x32xf32>
    %mul3A_215 = arith.mulf %mul3A_213, %mul3A_214 : vector<64x32xf32>
    %add3A_216 = arith.addf %broadcast_in_dim3A_99, %mul3A_215 : vector<64x32xf32>
    %eq3A_217 = arith.constant 1 : i32
    %eq3A_218 = vector.broadcast %eq3A_217 : i32 to vector<64x1xi32>
    %eq3A_219 = arith.cmpi eq, %select_n3A_94, %eq3A_218 : vector<64x1xi32>
    %jit3A_220 = arith.constant 1.000000e+00 : f32
    %jit3A_221 = arith.constant 0.000000e+00 : f32
    %broadcast_in_dim3A_222 = vector.broadcast %jit3A_220 : f32 to vector<64x1xf32>
    %broadcast_in_dim3A_223 = vector.broadcast %jit3A_221 : f32 to vector<64x1xf32>
    %select_n3A_224 = arith.select %eq3A_219, %broadcast_in_dim3A_222, %broadcast_in_dim3A_223 : vector<64x1xi1>, vector<64x1xf32>
    %get3A_225 = arith.constant 1 : index
    %get3A_226 = arith.constant 0 : index
    %get3A_227 = vector.load %arg2[%get3A_225, %get3A_226] : memref<7x32xf32, #tpu.memory_space<vmem>>, vector<1x32xf32>
    %get3A_228 = vector.shape_cast %get3A_227 : vector<1x32xf32> to vector<32xf32>
    %broadcast_in_dim3A_229 = vector.shape_cast %get3A_228 : vector<32xf32> to vector<1x32xf32>
    %mul3A_230 = vector.broadcast %select_n3A_224 : vector<64x1xf32> to vector<64x32xf32>
    %mul3A_231 = vector.broadcast %broadcast_in_dim3A_229 : vector<1x32xf32> to vector<64x32xf32>
    %mul3A_232 = arith.mulf %mul3A_230, %mul3A_231 : vector<64x32xf32>
    %add3A_233 = arith.addf %add3A_216, %mul3A_232 : vector<64x32xf32>
    %eq3A_234 = arith.constant 2 : i32
    %eq3A_235 = vector.broadcast %eq3A_234 : i32 to vector<64x1xi32>
    %eq3A_236 = arith.cmpi eq, %select_n3A_94, %eq3A_235 : vector<64x1xi32>
    %jit3A_237 = arith.constant 1.000000e+00 : f32
    %jit3A_238 = arith.constant 0.000000e+00 : f32
    %broadcast_in_dim3A_239 = vector.broadcast %jit3A_237 : f32 to vector<64x1xf32>
    %broadcast_in_dim3A_240 = vector.broadcast %jit3A_238 : f32 to vector<64x1xf32>
    %select_n3A_241 = arith.select %eq3A_236, %broadcast_in_dim3A_239, %broadcast_in_dim3A_240 : vector<64x1xi1>, vector<64x1xf32>
    %get3A_242 = arith.constant 2 : index
    %get3A_243 = arith.constant 0 : index
    %get3A_244 = vector.load %arg2[%get3A_242, %get3A_243] : memref<7x32xf32, #tpu.memory_space<vmem>>, vector<1x32xf32>
    %get3A_245 = vector.shape_cast %get3A_244 : vector<1x32xf32> to vector<32xf32>
    %broadcast_in_dim3A_246 = vector.shape_cast %get3A_245 : vector<32xf32> to vector<1x32xf32>
    %mul3A_247 = vector.broadcast %select_n3A_241 : vector<64x1xf32> to vector<64x32xf32>
    %mul3A_248 = vector.broadcast %broadcast_in_dim3A_246 : vector<1x32xf32> to vector<64x32xf32>
    %mul3A_249 = arith.mulf %mul3A_247, %mul3A_248 : vector<64x32xf32>
    %add3A_250 = arith.addf %add3A_233, %mul3A_249 : vector<64x32xf32>
    %eq3A_251 = arith.constant 3 : i32
    %eq3A_252 = vector.broadcast %eq3A_251 : i32 to vector<64x1xi32>
    %eq3A_253 = arith.cmpi eq, %select_n3A_94, %eq3A_252 : vector<64x1xi32>
    %jit3A_254 = arith.constant 1.000000e+00 : f32
    %jit3A_255 = arith.constant 0.000000e+00 : f32
    %broadcast_in_dim3A_256 = vector.broadcast %jit3A_254 : f32 to vector<64x1xf32>
    %broadcast_in_dim3A_257 = vector.broadcast %jit3A_255 : f32 to vector<64x1xf32>
    %select_n3A_258 = arith.select %eq3A_253, %broadcast_in_dim3A_256, %broadcast_in_dim3A_257 : vector<64x1xi1>, vector<64x1xf32>
    %get3A_259 = arith.constant 3 : index
    %get3A_260 = arith.constant 0 : index
    %get3A_261 = vector.load %arg2[%get3A_259, %get3A_260] : memref<7x32xf32, #tpu.memory_space<vmem>>, vector<1x32xf32>
    %get3A_262 = vector.shape_cast %get3A_261 : vector<1x32xf32> to vector<32xf32>
    %broadcast_in_dim3A_263 = vector.shape_cast %get3A_262 : vector<32xf32> to vector<1x32xf32>
    %mul3A_264 = vector.broadcast %select_n3A_258 : vector<64x1xf32> to vector<64x32xf32>
    %mul3A_265 = vector.broadcast %broadcast_in_dim3A_263 : vector<1x32xf32> to vector<64x32xf32>
    %mul3A_266 = arith.mulf %mul3A_264, %mul3A_265 : vector<64x32xf32>
    %add3A_267 = arith.addf %add3A_250, %mul3A_266 : vector<64x32xf32>
    %eq3A_268 = arith.constant 4 : i32
    %eq3A_269 = vector.broadcast %eq3A_268 : i32 to vector<64x1xi32>
    %eq3A_270 = arith.cmpi eq, %select_n3A_94, %eq3A_269 : vector<64x1xi32>
    %jit3A_271 = arith.constant 1.000000e+00 : f32
    %jit3A_272 = arith.constant 0.000000e+00 : f32
    %broadcast_in_dim3A_273 = vector.broadcast %jit3A_271 : f32 to vector<64x1xf32>
    %broadcast_in_dim3A_274 = vector.broadcast %jit3A_272 : f32 to vector<64x1xf32>
    %select_n3A_275 = arith.select %eq3A_270, %broadcast_in_dim3A_273, %broadcast_in_dim3A_274 : vector<64x1xi1>, vector<64x1xf32>
    %get3A_276 = arith.constant 4 : index
    %get3A_277 = arith.constant 0 : index
    %get3A_278 = vector.load %arg2[%get3A_276, %get3A_277] : memref<7x32xf32, #tpu.memory_space<vmem>>, vector<1x32xf32>
    %get3A_279 = vector.shape_cast %get3A_278 : vector<1x32xf32> to vector<32xf32>
    %broadcast_in_dim3A_280 = vector.shape_cast %get3A_279 : vector<32xf32> to vector<1x32xf32>
    %mul3A_281 = vector.broadcast %select_n3A_275 : vector<64x1xf32> to vector<64x32xf32>
    %mul3A_282 = vector.broadcast %broadcast_in_dim3A_280 : vector<1x32xf32> to vector<64x32xf32>
    %mul3A_283 = arith.mulf %mul3A_281, %mul3A_282 : vector<64x32xf32>
    %add3A_284 = arith.addf %add3A_267, %mul3A_283 : vector<64x32xf32>
    %eq3A_285 = arith.constant 5 : i32
    %eq3A_286 = vector.broadcast %eq3A_285 : i32 to vector<64x1xi32>
    %eq3A_287 = arith.cmpi eq, %select_n3A_94, %eq3A_286 : vector<64x1xi32>
    %jit3A_288 = arith.constant 1.000000e+00 : f32
    %jit3A_289 = arith.constant 0.000000e+00 : f32
    %broadcast_in_dim3A_290 = vector.broadcast %jit3A_288 : f32 to vector<64x1xf32>
    %broadcast_in_dim3A_291 = vector.broadcast %jit3A_289 : f32 to vector<64x1xf32>
    %select_n3A_292 = arith.select %eq3A_287, %broadcast_in_dim3A_290, %broadcast_in_dim3A_291 : vector<64x1xi1>, vector<64x1xf32>
    %get3A_293 = arith.constant 5 : index
    %get3A_294 = arith.constant 0 : index
    %get3A_295 = vector.load %arg2[%get3A_293, %get3A_294] : memref<7x32xf32, #tpu.memory_space<vmem>>, vector<1x32xf32>
    %get3A_296 = vector.shape_cast %get3A_295 : vector<1x32xf32> to vector<32xf32>
    %broadcast_in_dim3A_297 = vector.shape_cast %get3A_296 : vector<32xf32> to vector<1x32xf32>
    %mul3A_298 = vector.broadcast %select_n3A_292 : vector<64x1xf32> to vector<64x32xf32>
    %mul3A_299 = vector.broadcast %broadcast_in_dim3A_297 : vector<1x32xf32> to vector<64x32xf32>
    %mul3A_300 = arith.mulf %mul3A_298, %mul3A_299 : vector<64x32xf32>
    %add3A_301 = arith.addf %add3A_284, %mul3A_300 : vector<64x32xf32>
    %eq3A_302 = arith.constant 6 : i32
    %eq3A_303 = vector.broadcast %eq3A_302 : i32 to vector<64x1xi32>
    %eq3A_304 = arith.cmpi eq, %select_n3A_94, %eq3A_303 : vector<64x1xi32>
    %jit3A_305 = arith.constant 1.000000e+00 : f32
    %jit3A_306 = arith.constant 0.000000e+00 : f32
    %broadcast_in_dim3A_307 = vector.broadcast %jit3A_305 : f32 to vector<64x1xf32>
    %broadcast_in_dim3A_308 = vector.broadcast %jit3A_306 : f32 to vector<64x1xf32>
    %select_n3A_309 = arith.select %eq3A_304, %broadcast_in_dim3A_307, %broadcast_in_dim3A_308 : vector<64x1xi1>, vector<64x1xf32>
    %get3A_310 = arith.constant 6 : index
    %get3A_311 = arith.constant 0 : index
    %get3A_312 = vector.load %arg2[%get3A_310, %get3A_311] : memref<7x32xf32, #tpu.memory_space<vmem>>, vector<1x32xf32>
    %get3A_313 = vector.shape_cast %get3A_312 : vector<1x32xf32> to vector<32xf32>
    %broadcast_in_dim3A_314 = vector.shape_cast %get3A_313 : vector<32xf32> to vector<1x32xf32>
    %mul3A_315 = vector.broadcast %select_n3A_309 : vector<64x1xf32> to vector<64x32xf32>
    %mul3A_316 = vector.broadcast %broadcast_in_dim3A_314 : vector<1x32xf32> to vector<64x32xf32>
    %mul3A_317 = arith.mulf %mul3A_315, %mul3A_316 : vector<64x32xf32>
    %add3A_318 = arith.addf %add3A_301, %mul3A_317 : vector<64x32xf32>
    %broadcast_in_dim3A_319 = arith.constant 0.000000e+00 : f32
    %broadcast_in_dim3A_320 = vector.broadcast %broadcast_in_dim3A_319 : f32 to vector<64x32xf32>
    %concatenate3A = tpu.concatenate %add3A_182, %add3A_199, %add3A_318, %broadcast_in_dim3A_320 in 1 : vector<64x32xf32>, vector<64x32xf32>, vector<64x32xf32>, vector<64x32xf32> -> vector<64x128xf32>
    %swap3A = arith.constant 0 : index
    %swap3A_321 = arith.constant 0 : index
    %swap3A_322 = vector.load %arg3[%swap3A, %swap3A_321] : memref<64x128xf32, #tpu.memory_space<vmem>>, vector<64x128xf32>
    tpu.vector_store %arg3[%swap3A, %swap3A_321], %concatenate3A {strides = array<i32>} : memref<64x128xf32, #tpu.memory_space<vmem>>, vector<64x128xf32>,
    return
  }
}

</mosaic_0001>

<sc_bundles>
// kernel: kernel.4.cloned.1.call-start
scs
__scs_entry_jumppad:
0x0: {  	(pc) =	sbr.rel $0x88, $3  }
0x1: {  	(tag) =	ssettag $0x0;
	lr =	simm.s32 $0x1  }
0x2: {  	[smem:$0x3F9B] =	sst lr;
	_ =	strace $0xD0000000  }
0x3: {  	_ = 	snop  }
0x4: {  	_ = 	snop  }
0x5: {  	_ = 	snop  }
0x6: {  	_ = 	snop  }
0x7: {  	_ = 	snop  }
__scs_overlays_trampoline_lowered:
0x8: {  	[smem:$0x3FAA] =	sst s0  }
0x9: {  	[smem:$0x3FAB] =	sst s1  }
0xa: {  	[smem:$0x3FAC] =	sst s2  }
0xb: {  	[smem:$0x3FAD] =	sst s3  }
0xc: {  	[smem:$0x3FAE] =	sst s4  }
0xd: {  	[smem:$0x3FAF] =	sst s5  }
0xe: {  	[smem:$0x3FB0] =	sst s6  }
0xf: {  	[smem:$0x3FB1] =	sst s7  }
0x10: {  	[smem:$0x3FB2] =	sst s8  }
0x11: {  	[smem:$0x3FB3] =	sst s9;
	s0 =	simm.s32 @!p0 $0x0  }
0x12: {  	s1 =	sld [smem:$0x3F99];
	s0 =	simm.s32 @p0 $0x1  }
0x13: {  	[smem:$0x3FB4] =	sst s0;
	s0 =	simm.s32 @!p1 $0x0  }
0x14: {  	s2 =	sld [smem:$0x3F98];
	s0 =	simm.s32 @p1 $0x1  }
0x15: {  	[smem:$0x3FB5] =	sst s0;
	s0 =	simm.s32 @!p2 $0x0  }
0x16: {  	s3 =	sld [smem:$0x3FDB];
	s0 =	simm.s32 @p2 $0x1  }
0x17: {  	s4 =	simm.s32 $0x1BF5;
	[smem:$0x3FB7] =	sst s0  }
0x18: {  	s0 =	sld [smem:$0x3F9A];
	_ =	swait.ge [sflag:s4], $0x0  }
0x19: {  	s7 =	sld [smem:$0x3F9B]  }
0x1a: {  	s8 =	sadd.s32 $0xFFFFE003, lr  }
0x1b: {  	s9 =	sadd.s32 $0xFFFFFEF7, lr;
	s5 =	simm.s32 $0xFFFFFFFF;
	p2 =	slt.u32 s8, $0xFFFFF086  }
0x1c: {  	p1 =	slt.u32 s9, $0xF7A;
	s5 =	simm.s32 @!p2 $0x0  }
0x1d: {  	s5 =	simm.s32 @p1 $0x1;
	p0 =	seq.s32 s7, s2  }
0x1e: {  	s7 =	smul.u32 @!p0 $0xF7A, s2;
	p2 =	seq.s32 @!p0 s5, $0x0  }
0x1f: {  	s9 =	smul.u32 $0xF7A, s1;
	s8 =	simm.s32 @!p0 $0x1BF5;
	p2 =	por !p2, p0  }
0x20: {  	[sflag:s8] =	ssyncset.s32 @!p0 $0xFFFFF086;
	s6 =	sadd.s32 @!p0 s3, s7;
	s7 =	simm.s32 @!p0 $0x108  }
0x21: {  	s3 =	sadd.s32 s3, s9;
	s6 =	sadd.s32 @!p0 $0x88, s6;
	s7 =	simm.s32 @p2 $0x1082  }
0x22: {  	[simem:s7], [sflag:s8] =	dma.local @!p0 [hbm:s6], $0xF7A  }
0x23: {  	s9 =	sor.u32 $0xD0000000, s2;
	s6 =	simm.s32 $0x108;
	_ =	swait.ge @!p0 [sflag:s8], $0x0  }
0x24: {  	s3 =	sadd.s32 $0x88, s3;
	s6 =	simm.s32 @!p1 $0x1082;
	[sflag:s4] =	ssyncset.s32 $0xFFFFF086  }
0x25: {  	[simem:s6], [sflag:s4] =	dma.local [hbm:s3], $0xF7A  }
0x26: {  	[smem:$0x3F9B] =	sst s1;
	(tag) =	ssettag s2;
	_ =	strace s9  }
0x27: {  	s1 =	sld [smem:$0x3FAB]  }
0x28: {  	s2 =	sld [smem:$0x3FAC]  }
0x29: {  	s4 =	sld [smem:$0x3FAE]  }
0x2a: {  	p0 =	seq.s32 s5, $0x0;
	s5 =	sld [smem:$0x3FAF]  }
0x2b: {  	s6 =	sld [smem:$0x3FB0]  }
0x2c: {  	s7 =	sld [smem:$0x3FB1]  }
0x2d: {  	s3 =	simm.s32 $0x108;
	s8 =	sld [smem:$0x3FB2]  }
0x2e: {  	s3 =	simm.s32 @!p0 $0x1082;
	s9 =	sld [smem:$0x3FB3]  }
0x2f: {  	lr =	sadd.s32 s0, s3;
	s0 =	sld [smem:$0x3FAA]  }
0x30: {  	s3 =	sld [smem:$0x3FAD]  }
0x31: {  	[smem:$0x3FB6] =	sst s10  }
0x32: {  	s10 =	sld [smem:$0x3FB4];
	_ =	sdelay $0x3  }
0x33: {  	p0 =	seq.s32 s10, $0x1;
	s10 =	sld [smem:$0x3FB6];
	_ =	sdelay $0x3  }
0x34: {  	[smem:$0x3FB6] =	sst s10  }
0x35: {  	s10 =	sld [smem:$0x3FB5];
	_ =	sdelay $0x3  }
0x36: {  	p1 =	seq.s32 s10, $0x1;
	s10 =	sld [smem:$0x3FB6];
	_ =	sdelay $0x3  }
0x37: {  	[smem:$0x3FB6] =	sst s10  }
0x38: {  	s10 =	sld [smem:$0x3FB7]  }
0x39: {  	_ = 	snop;
	(pc) =	sbr.ind lr, $3  }
0x3a: {  	_ = 	snop  }
0x3b: {  	_ = 	snop  }
0x3c: {  	p2 =	seq.s32 s10, $0x1;
	s10 =	sld [smem:$0x3FB6]  }
0x3d: {  	_ =	shalt  }
0x3e: {  	_ =	shalt  }
0x3f: {  	_ =	shalt  }
0x40: {  	_ =	shalt  }
0x41: {  	_ =	shalt  }
0x42: {  	_ =	shalt  }
0x43: {  	_ =	shalt  }
0x44: {  	_ =	shalt  }
0x45: {  	_ =	shalt  }
0x46: {  	_ =	shalt  }
0x47: {  	_ =	shalt  }
0x48: {  	_ =	shalt  }
0x49: {  	_ =	shalt  }
0x4a: {  	_ =	shalt  }
0x4b: {  	_ =	shalt  }
0x4c: {  	_ =	shalt  }
0x4d: {  	_ =	shalt  }
0x4e: {  	_ =	shalt  }
0x4f: {  	_ =	shalt  }
0x50: {  	_ =	shalt  }
0x51: {  	_ =	shalt  }
0x52: {  	_ =	shalt  }
0x53: {  	_ =	shalt  }
0x54: {  	_ =	shalt  }
0x55: {  	_ =	shalt  }
0x56: {  	_ =	shalt  }
0x57: {  	_ =	shalt  }
0x58: {  	_ =	shalt  }
0x59: {  	_ =	shalt  }
0x5a: {  	_ =	shalt  }
0x5b: {  	_ =	shalt  }
0x5c: {  	_ =	shalt  }
0x5d: {  	_ =	shalt  }
0x5e: {  	_ =	shalt  }
0x5f: {  	_ =	shalt  }
0x60: {  	_ =	shalt  }
0x61: {  	_ =	shalt  }
0x62: {  	_ =	shalt  }
0x63: {  	_ =	shalt  }
0x64: {  	_ =	shalt  }
0x65: {  	_ =	shalt  }
0x66: {  	_ =	shalt  }
0x67: {  	_ =	shalt  }
0x68: {  	_ =	shalt  }
0x69: {  	_ =	shalt  }
0x6a: {  	_ =	shalt  }
0x6b: {  	_ =	shalt  }
0x6c: {  	_ =	shalt  }
0x6d: {  	_ =	shalt  }
0x6e: {  	_ =	shalt  }
0x6f: {  	_ =	shalt  }
0x70: {  	_ =	shalt  }
0x71: {  	_ =	shalt  }
0x72: {  	_ =	shalt  }
0x73: {  	_ =	shalt  }
0x74: {  	_ =	shalt  }
0x75: {  	_ =	shalt  }
0x76: {  	_ =	shalt  }
0x77: {  	_ =	shalt  }
0x78: {  	_ =	shalt  }
0x79: {  	_ =	shalt  }
0x7a: {  	_ =	shalt  }
0x7b: {  	_ =	shalt  }
0x7c: {  	_ =	shalt  }
0x7d: {  	_ =	shalt  }
0x7e: {  	_ =	shalt  }
0x7f: {  	_ =	shalt  }
0x80: {  	_ =	shalt  }
0x81: {  	_ =	shalt  }
0x82: {  	_ =	shalt  }
0x83: {  	_ =	shalt  }
0x84: {  	_ =	shalt  }
0x85: {  	_ =	shalt  }
0x86: {  	_ =	shalt  }
0x87: {  	_ =	shalt  }
.Lfunc_end0:
.L_simem_size_0:
called_computation.1_lowered:
.L_overlay_start_0:
0x88: {  	s2 =	sld [smem:$0x3FD9]  }
0x89: {  	s3 =	sld [smem:$0x3FFE];
	_ =	sdelay $0x1  }
0x8a: {  	s1 =	srdreg.scid  }
0x8b: {  	s0 =	sand.u32 $0x1, s1  }
0x8c: {  	s17 =	sshll.u32 s0, $0xA;
	s2 =	sadd.s32 s3, s2  }
0x8d: {  	s2 =	sadd.s32 s2, s17  }
0x8e: {  	[smem:$0x3FC2] =	sst s2  }
0x8f: {  	_ = 	snop  }
0x90: {  	s2 =	sld [smem:$0x3FC9]  }
0x91: {  	s18 =	sld [smem:$0x3FC8]  }
0x92: {  	s4 =	sld [smem:$0x3FC7]  }
0x93: {  	s5 =	sld [smem:$0x3FD0];
	(tm) =	ssettm $0x1  }
0x94: {  	s6 =	sld [smem:$0x3FFB];
	_ =	sdelay $0x3  }
0x95: {  	_ =	strace s6  }
0x96: {  	s6 =	sld [smem:$0x3FFC];
	_ =	sdelay $0x3  }
0x97: {  	_ =	strace s6  }
0x98: {  	s6 =	sld [smem:$0x3FFD];
	_ =	sdelay $0x3  }
0x99: {  	_ =	strace s6  }
0x9a: {  	_ =	strace $0x8FFFFFFF  }
0x9b: {  	s19 =	sld [smem:$0x3FDB];
	_ =	sdelay $0x1  }
0x9c: {  	s7 =	simm.s32 $_scs_section_size  }
0x9d: {  	s8 =	simm.s32 $_size__tile_overlayer_lowered;
	s9 =	simm.s32 $_tile_overlayer_lowered  }
0x9e: {  	s22 =	simm.s32 $0x1BFF;
	s21 =	sshll.u32 s9, $0x1;
	s6 =	sadd.s32 s7, s19  }
0x9f: {  	s10 =	simm.s32 $0x0;
	s20 =	sshll.u32 s8, $0x1;
	s8 =	sadd.s32 s21, s6  }
0xa0: {  	[timem:s10], [sflag:s22] =	dma.local [hbm:s8], s20  }
0xa1: {  	_ =	swait.ge [sflag:s22], s20  }
0xa2: {  	s7 =	ssub.s32 $0x0, s20;
	[sflag:s22] =	ssyncset.done $0x0  }
0xa3: {  	[sflag:s22] =	ssyncadd.s32 s7;
	_ =	sdelay $0x1  }
0xa4: {  	s23 =	simm.s32 $0x1B8B  }
0xa5: {  	_ =	swait.ge [sflag:s23], $0x1  }
0xa6: {  	[sflag:s23] =	ssyncset.done $0x0  }
0xa7: {  	s25 =	simm.s32 $0x1B8E;
	s24 =	sld [smem:$0x3FFE];
	[sflag:s23] =	ssyncadd.s32 $0xFFFFFFFF  }
0xa8: {  	s26 =	simm.s32 $execute0_lowered;
	[smem:$0x3FD2] =	sst s25  }
0xa9: {  	s8 =	sshll.u32 s26, $0x1;
	_ =	strace $0x80000046;
	[dreg:$0x1] =	wrdreg $0xFFFFFFFF  }
0xaa: {  	s28 =	simm.s32 $_size_execute0_lowered;
	s6 =	sadd.s32 s6, s8;
	[dreg:$0x0] =	wrdreg $0x0  }
0xab: {  	s8 =	sshll.u32 s28, $0x1;
	[dreg:$0x2] =	wrdreg s6  }
0xac: {  	[dreg:$0x3] =	wrdreg s8  }
0xad: {  	[dreg:$0x4] =	wrdreg $0xC0  }
0xae: {  	_ =	task [dreg:s10], $0x5FFFF  }
0xaf: {  	[dreg:$0x1] =	wrdreg $0xFFFFFFFF  }
0xb0: {  	[dreg:$0x0] =	wrdreg $0x60  }
0xb1: {  	[dreg:$0x2] =	wrdreg s2  }
0xb2: {  	[dreg:$0x3] =	wrdreg s18  }
0xb3: {  	[dreg:$0x4] =	wrdreg s4  }
0xb4: {  	[dreg:$0x5] =	wrdreg s5  }
0xb5: {  	[dreg:$0x6] =	wrdreg s24  }
0xb6: {  	[dreg:$0x7] =	wrdreg $0x1A0000  }
0xb7: {  	[dreg:$0x8] =	wrdreg $0x9  }
0xb8: {  	_ =	task.clear_ibuf [dreg:s10], $0x9FFFF;
	_ =	strace $0x90000046  }
0xb9: {  	s29 =	simm.s32 $0x9;
	_ =	strace $0x80000048  }
0xba: {  	_ =	swait.ge [sflag:s29], $0x1  }
0xbb: {  	[sflag:s29] =	ssyncadd.s32 $0xFFFFFFFF  }
0xbc: {  	_ =	strace $0x90000048  }
0xbd: {  	_ =	sfence  }
0xbe: {  	s30 =	sld [smem:$0x0];
	_ =	sdelay $0x2  }
0xbf: {  	s31 =	sshll.u32 s1, $0xD;
	s1 =	sshrl.u32 s1, $0x2  }
0xc0: {  	s3 =	sand.u32 $0x4000, s31;
	s1 =	sadd.s32 s1, s30  }
0xc1: {  	s0 =	sor.u32 s3, s0;
	s1 =	sshll.u32 s1, $0x11  }
0xc2: {  	s0 =	sor.u32 s1, s0  }
0xc3: {  	s0 =	sadd.s32 $0x8F2B, s0  }
0xc4: {  	[sflag:s0] =	ssyncadd.remote.s32 $0x1  }
0xc5: {  	_ =	sfence.sel $0xFFFF  }
0xc6: {  	[dreg:$0x0] =	wrdreg $0xFFFFFFFF;
	(pc) =	sbr.abs _section_cstart, $3  }
0xc7: {  	[dreg:$0x1] =	wrdreg $0xFFFFFFFF  }
0xc8: {  	_ =	task.clear_ibuf [dreg:s10], $0x2FFFF;
	_ =	strace $0x9FFFFFFF  }
0xc9: {  	(tm) =	ssettm $0x7FFFFFFF  }
tec
execute0_lowered:
.L_overlay_start_1:
0x0: {  	(tag) =	ssettag $0x1  }
0x1: {  	s0 =	rddreg [dreg:$0x0]  }
0x2: {  	s1 =	rddreg [dreg:$0x1]  }
0x3: {  	s2 =	rddreg [dreg:$0x2]  }
0x4: {  	s3 =	srdreg.scid;
	s8 =	rddreg [dreg:$0x4]  }
0x5: {  	s4 =	stileid.u32;
	s5 =	rddreg [dreg:$0x5];
	s29 =	simm.s32 $0x800  }
0x6: {  	s30 =	simm.s32 $0xA00;
	s3 =	sand.u32 $0x1, s3;
	s6 =	sshll.u32 s4, $0x1  }
0x7: {  	s31 =	simm.s32 $0x3;
	s8 =	sadd.s32 $0x1000, s8;
	s9 =	sor.u32 s3, s6  }
0x8: {  	p0 =	sne.s32 s4, $0x0;
	s6 =	simm.s32 $0x0;
	s7 =	smul.u32 $0xC350, s9  }
0x9: {  	s3 =	ssub.s32 $0x2, s3;
	[smem:$0x7FF] =	sst s6;
	s16 =	smul.u32 $0xC3500, s9  }
0xa: {  	s10 =	sshrl.u32 s3, $0x1;
	s9 =	smul.u32 $0x61A800, s9;
	_ =	strace $0x80000047  }
0xb: {  	s3 =	ssub.s32 s3, s10;
	s11 =	sshrl.u32 s7, $0x3;
	s19 =	sadd.s32 s8, s16  }
0xc: {  	s9 =	sshrl.u32 s9, $0x3;
	s3 =	smax.u32 s3, $0x1;
	[dreg:$0xd] =	wrdreg s19  }
0xd: {  	s16 =	simm.s32 $0x6;
	s12 =	sadd.s32 s0, s11;
	[dreg:$0x16] =	wrdreg s3  }
0xe: {  	s13 =	sadd.s32 s1, s11;
	s14 =	sadd.s32 s2, s11;
	[dreg:$0x7] =	wrdreg s12  }
0xf: {  	s9 =	sadd.s32 s8, s9;
	s11 =	simm.s32 $0xF40;
	[dreg:$0x8] =	wrdreg s13  }
0x10: {  	s3 =	simm.s32 $0x17800;
	[dreg:$0x9] =	wrdreg s14;
	s12 =	sadd.s32 $0x190, s7  }
0x11: {  	s13 =	sadd.s32 $0x320, s7;
	s28 =	sadd.s32 $0xC1C00, s9;
	s15 =	sshrl.u32 s12, $0x3  }
0x12: {  	s9 =	simm.s32 $0x1;
	[dreg:$0x15] =	wrdreg s28;
	s14 =	sadd.s32 s0, s15  }
0x13: {  	s18 =	sshrl.u32 s13, $0x3;
	s17 =	sadd.s32 s1, s15;
	[dreg:$0xa] =	wrdreg s14  }
0x14: {  	s22 =	sshll.u32 s12, $0x4;
	s10 =	sadd.s32 s2, s15;
	[dreg:$0xb] =	wrdreg s17  }
0x15: {  	s20 =	sadd.s32 s0, s18;
	s21 =	sadd.s32 s1, s18;
	[dreg:$0xc] =	wrdreg s10  }
0x16: {  	s23 =	sadd.s32 s2, s18;
	s15 =	simm.s32 $0x4;
	[dreg:$0xe] =	wrdreg s20  }
0x17: {  	[dreg:$0xf] =	wrdreg s21;
	s10 =	sadd.s32 s8, s22;
	s22 =	sadd.s32 $0x4B0, s7  }
0x18: {  	[dreg:$0x10] =	wrdreg s23;
	s14 =	simm.s32 $0x1000;
	s24 =	sshrl.u32 s22, $0x3  }
0x19: {  	s20 =	simm.s32 $0x8800;
	[dreg:$0x11] =	wrdreg s10;
	s25 =	sadd.s32 s0, s24  }
0x1a: {  	s21 =	simm.s32 $0x740;
	s26 =	sadd.s32 s1, s24;
	[dreg:$0x12] =	wrdreg s25  }
0x1b: {  	s23 =	simm.s32 $0xB000;
	s4 =	sadd.s32 s2, s24;
	[dreg:$0x13] =	wrdreg s26  }
0x1c: {  	s10 =	simm.s32 $0x50;
	s24 =	simm.s32 $0x2;
	[dreg:$0x14] =	wrdreg s4  }
0x1d: {  	s25 =	simm.s32 $0xD800;
	s26 =	simm.s32 $0x5;
	s4 =	simm.s32 $0x0  }
.LBB2_1:
0x1e: {  	[dreg:$0x17] =	wrdreg s4  }
0x1f: {  	s17 =	sshrl.u32 @!p0 s5, $0x3;
	s18 =	simm.s32 @!p0 $0x1C07;
	s19 =	rddreg [dreg:$0x3]  }
0x20: {  	[spmem:s17], [sflag:s18] =	dma.local @!p0 [hbm:s19], $0x400  }
0x21: {  	s17 =	simm.s32 @!p0 $0x7  }
0x22: {  	_ =	swait.ge @!p0 [sflag:s17], $0x400  }
0x23: {  	[sflag:s17] =	ssyncset.done @!p0 $0x0  }
0x24: {  	[sflag:s17] =	ssyncadd.s32 @!p0 $0xFFFFFC00  }
0x25: {  	[bflag:$0x0] =	sbarrier.arrive $0xFFFF  }
0x26: {  	s28 =	rddreg [dreg:$0x7]  }
0x27: {  	[tilespmem:s6], [sflag:$0x1] =	stream.linear.gather [hbm4b:s28+s6], $0x190, $0x38;
	[tilespmem:$0x1A200] =	vst v63  }
0x28: {  	s18 =	simm.s32 $0x200;
	s4 =	rddreg [dreg:$0x8]  }
0x29: {  	[tilespmem:s18], [sflag:$0x1] =	stream.linear.gather [hbm4b:s4+s6], $0x190, $0x38;
	[tilespmem:$0x1A200] =	vst v63  }
0x2a: {  	s19 =	rddreg [dreg:$0x9];
	s28 =	simm.s32 $0x400  }
0x2b: {  	[tilespmem:s28], [sflag:$0x1] =	stream.linear.gather [hbm4b:s19+s6], $0x190, $0x38;
	[tilespmem:$0x1A200] =	vst v63  }
0x2c: {  	s4 =	rddreg [dreg:$0xa]  }
0x2d: {  	[tilespmem:s29], [sflag:$0x2] =	stream.linear.gather [hbm4b:s4+s6], $0x190, $0x38;
	[tilespmem:$0x1A200] =	vst v63  }
0x2e: {  	s18 =	rddreg [dreg:$0xb]  }
0x2f: {  	[tilespmem:s30], [sflag:$0x2] =	stream.linear.gather [hbm4b:s18+s6], $0x190, $0x38;
	[tilespmem:$0x1A200] =	vst v63  }
0x30: {  	s19 =	rddreg [dreg:$0xc];
	s28 =	simm.s32 $0xC00  }
0x31: {  	[tilespmem:s28], [sflag:$0x2] =	stream.linear.gather [hbm4b:s19+s6], $0x190, $0x38;
	[tilespmem:$0x1A200] =	vst v63  }
0x32: {  	_ =	swait.ge [sflag:s9], $0x190  }
0x33: {  	[sflag:s9] =	ssyncset.done $0x0  }
0x34: {  	[sflag:s9] =	ssyncadd.s32 $0xFFFFFE70  }
0x35: {  	_ =	swait.ge [sflag:s9], $0x190  }
0x36: {  	[sflag:s9] =	ssyncset.done $0x0  }
0x37: {  	[sflag:s9] =	ssyncadd.s32 $0xFFFFFE70  }
0x38: {  	_ =	swait.ge [sflag:s9], $0x190  }
0x39: {  	[sflag:s9] =	ssyncset.done $0x0  }
0x3a: {  	s17 =	simm.s32 $0x0;
	[sflag:s9] =	ssyncadd.s32 $0xFFFFFE70  }
0x3b: {  	v0 =	vld [tilespmem:s17+$0x0]  }
0x3c: {  	v1 =	vld [tilespmem:s17+$0x200];
	_ =	sdelay $0x2  }
0x3d: {  	s18 =	simm.s32 $0x40;
	v2 =	vld [tilespmem:s17+$0x400]  }
.LBB2_2:
0x3e: {  	s28 =	sshra.s32 s18, $0x2;
	p1 =	sne.s32 s18, $0x600  }
.Ltmp0:
0x3f: {  	s18 =	sadd.s32 $0x40, s18;
	v3 =	vmul.u32 $0x15, v0;
	v0 =	vld [tilespmem:s28+$0x0];
	v4 =	vmul.u32 $0x7, v1;
	(pc) =	sbr.rel @p1 .LBB2_2-.Ltmp0, $4  }
0x40: {  	v1 =	vld [tilespmem:s28+$0x200]  }
0x41: {  	v3 =	vadd.s32 v3, v4  }
0x42: {  	v3 =	vadd.s32 v2, v3  }
0x43: {  	v2 =	vld [tilespmem:s28+$0x400];
	[tilespmem:s17+$0x600] =	vst v3;
	s17 =	smov.u32 s28  }
0x44: {  	_ = 	snop  }
0x45: {  	v0 =	vmul.u32 $0x15, v0;
	v1 =	vmul.u32 $0x7, v1;
	_ =	sdelay $0x1  }
0x46: {  	v0 =	vadd.s32 v0, v1  }
0x47: {  	v0 =	vadd.s32 v2, v0  }
0x48: {  	s4 =	simm.s32 $0x600;
	[tilespmem:s17+$0x600] =	vst v0  }
0x49: {  	[tilespmem:s14], [sflag:$0x3] =	stream.indirect.gather [spmem:s5], $0x80, s4, s10, $0xb8;
	[tilespmem:$0x1A200] =	vst v63  }
0x4a: {  	s19 =	simm.s32 $0x650;
	s28 =	simm.s32 $0x3800  }
0x4b: {  	[tilespmem:s28], [sflag:$0x3] =	stream.indirect.gather [spmem:s5], $0x80, s19, s10, $0xb8;
	[tilespmem:$0x1A200] =	vst v63  }
0x4c: {  	s18 =	simm.s32 $0x6A0;
	s19 =	simm.s32 $0x6000  }
0x4d: {  	[tilespmem:s19], [sflag:$0x3] =	stream.indirect.gather [spmem:s5], $0x80, s18, s10, $0xb8;
	[tilespmem:$0x1A200] =	vst v63  }
0x4e: {  	s28 =	simm.s32 $0x6F0  }
0x4f: {  	[tilespmem:s20], [sflag:$0x3] =	stream.indirect.gather [spmem:s5], $0x80, s28, s10, $0xb8;
	[tilespmem:$0x1A200] =	vst v63  }
0x50: {  	_ = 	snop  }
0x51: {  	[tilespmem:s23], [sflag:$0x3] =	stream.indirect.gather [spmem:s5], $0x80, s21, s10, $0xb8;
	[tilespmem:$0x1A200] =	vst v63  }
0x52: {  	_ =	swait.ge [sflag:s31], $0x2800  }
0x53: {  	[sflag:s31] =	ssyncset.done $0x0  }
0x54: {  	[sflag:s31] =	ssyncadd.s32 $0xFFFFD800  }
0x55: {  	_ =	swait.ge [sflag:s31], $0x2800  }
0x56: {  	[sflag:s31] =	ssyncset.done $0x0  }
0x57: {  	[sflag:s31] =	ssyncadd.s32 $0xFFFFD800  }
0x58: {  	_ =	swait.ge [sflag:s31], $0x2800  }
0x59: {  	[sflag:s31] =	ssyncset.done $0x0  }
0x5a: {  	[sflag:s31] =	ssyncadd.s32 $0xFFFFD800  }
0x5b: {  	_ =	swait.ge [sflag:s31], $0x2800  }
0x5c: {  	[sflag:s31] =	ssyncset.done $0x0  }
0x5d: {  	[sflag:s31] =	ssyncadd.s32 $0xFFFFD800  }
0x5e: {  	_ =	swait.ge [sflag:s31], $0x2800  }
0x5f: {  	[sflag:s31] =	ssyncset.done $0x0  }
0x60: {  	s17 =	simm.s32 $0x0;
	s18 =	rddreg [dreg:$0xd];
	[sflag:s31] =	ssyncadd.s32 $0xFFFFD800  }
0x61: {  	[hbm4b:s18+s17] =	stream.linear.scatter [tilespmem:s14], [sflag:$0x5], $0xC800, $0x38;
	[tilespmem:$0x1A200] =	vst v63  }
0x62: {  	s4 =	rddreg [dreg:$0xe]  }
0x63: {  	[tilespmem:s17], [sflag:$0x1] =	stream.linear.gather [hbm4b:s4+s17], $0x190, $0x38;
	[tilespmem:$0x1A200] =	vst v63  }
0x64: {  	s28 =	simm.s32 $0x200;
	s19 =	rddreg [dreg:$0xf]  }
0x65: {  	[tilespmem:s28], [sflag:$0x1] =	stream.linear.gather [hbm4b:s19+s17], $0x190, $0x38;
	[tilespmem:$0x1A200] =	vst v63  }
0x66: {  	s19 =	rddreg [dreg:$0x10];
	s28 =	simm.s32 $0x400  }
0x67: {  	[tilespmem:s28], [sflag:$0x1] =	stream.linear.gather [hbm4b:s19+s17], $0x190, $0x38;
	[tilespmem:$0x1A200] =	vst v63  }
0x68: {  	_ =	swait.ge [sflag:s24], $0x190  }
0x69: {  	[sflag:s24] =	ssyncset.done $0x0  }
0x6a: {  	[sflag:s24] =	ssyncadd.s32 $0xFFFFFE70  }
0x6b: {  	_ =	swait.ge [sflag:s24], $0x190  }
0x6c: {  	[sflag:s24] =	ssyncset.done $0x0  }
0x6d: {  	[sflag:s24] =	ssyncadd.s32 $0xFFFFFE70  }
0x6e: {  	_ =	swait.ge [sflag:s24], $0x190  }
0x6f: {  	[sflag:s24] =	ssyncset.done $0x0  }
0x70: {  	s17 =	simm.s32 $0x0;
	[sflag:s24] =	ssyncadd.s32 $0xFFFFFE70  }
0x71: {  	v0 =	vld [tilespmem:s17+$0x800]  }
0x72: {  	v1 =	vld [tilespmem:s17+$0xA00];
	_ =	sdelay $0x2  }
0x73: {  	s18 =	simm.s32 $0x40;
	v2 =	vld [tilespmem:s17+$0xC00]  }
.LBB2_4:
0x74: {  	s28 =	sshra.s32 s18, $0x2;
	p1 =	sne.s32 s18, $0x600  }
.Ltmp1:
0x75: {  	s18 =	sadd.s32 $0x40, s18;
	v3 =	vmul.u32 $0x15, v0;
	v0 =	vld [tilespmem:s28+$0x800];
	v4 =	vmul.u32 $0x7, v1;
	(pc) =	sbr.rel @p1 .LBB2_4-.Ltmp1, $4  }
0x76: {  	v1 =	vld [tilespmem:s28+$0xA00]  }
0x77: {  	v3 =	vadd.s32 v3, v4  }
0x78: {  	v3 =	vadd.s32 v2, v3  }
0x79: {  	v2 =	vld [tilespmem:s28+$0xC00];
	[tilespmem:s17+$0xE00] =	vst v3;
	s17 =	smov.u32 s28  }
0x7a: {  	_ = 	snop  }
0x7b: {  	v0 =	vmul.u32 $0x15, v0;
	v1 =	vmul.u32 $0x7, v1;
	_ =	sdelay $0x1  }
0x7c: {  	v0 =	vadd.s32 v0, v1  }
0x7d: {  	v0 =	vadd.s32 v2, v0  }
0x7e: {  	s4 =	simm.s32 $0xE00;
	[tilespmem:s17+$0xE00] =	vst v0  }
0x7f: {  	[tilespmem:s25], [sflag:$0x4] =	stream.indirect.gather [spmem:s5], $0x80, s4, s10, $0xb8;
	[tilespmem:$0x1A200] =	vst v63  }
0x80: {  	s18 =	simm.s32 $0x10000;
	s17 =	simm.s32 $0xE50  }
0x81: {  	[tilespmem:s18], [sflag:$0x4] =	stream.indirect.gather [spmem:s5], $0x80, s17, s10, $0xb8;
	[tilespmem:$0x1A200] =	vst v63  }
0x82: {  	s19 =	simm.s32 $0xEA0;
	s28 =	simm.s32 $0x12800  }
0x83: {  	[tilespmem:s28], [sflag:$0x4] =	stream.indirect.gather [spmem:s5], $0x80, s19, s10, $0xb8;
	[tilespmem:$0x1A200] =	vst v63  }
0x84: {  	s17 =	simm.s32 $0xEF0;
	s18 =	simm.s32 $0x15000  }
0x85: {  	[tilespmem:s18], [sflag:$0x4] =	stream.indirect.gather [spmem:s5], $0x80, s17, s10, $0xb8;
	[tilespmem:$0x1A200] =	vst v63  }
0x86: {  	_ = 	snop  }
0x87: {  	[tilespmem:s3], [sflag:$0x4] =	stream.indirect.gather [spmem:s5], $0x80, s11, s10, $0xb8;
	[tilespmem:$0x1A200] =	vst v63  }
0x88: {  	_ =	swait.ge [sflag:s15], $0x2800  }
0x89: {  	[sflag:s15] =	ssyncset.done $0x0  }
0x8a: {  	[sflag:s15] =	ssyncadd.s32 $0xFFFFD800  }
0x8b: {  	_ =	swait.ge [sflag:s15], $0x2800  }
0x8c: {  	[sflag:s15] =	ssyncset.done $0x0  }
0x8d: {  	[sflag:s15] =	ssyncadd.s32 $0xFFFFD800  }
0x8e: {  	_ =	swait.ge [sflag:s15], $0x2800  }
0x8f: {  	[sflag:s15] =	ssyncset.done $0x0  }
0x90: {  	[sflag:s15] =	ssyncadd.s32 $0xFFFFD800  }
0x91: {  	_ =	swait.ge [sflag:s15], $0x2800  }
0x92: {  	[sflag:s15] =	ssyncset.done $0x0  }
0x93: {  	[sflag:s15] =	ssyncadd.s32 $0xFFFFD800  }
0x94: {  	_ =	swait.ge [sflag:s15], $0x2800  }
0x95: {  	[sflag:s15] =	ssyncset.done $0x0  }
0x96: {  	s17 =	simm.s32 $0x0;
	s18 =	rddreg [dreg:$0x11];
	[sflag:s15] =	ssyncadd.s32 $0xFFFFD800  }
0x97: {  	[hbm4b:s18+s17] =	stream.linear.scatter [tilespmem:s25], [sflag:$0x6], $0xC800, $0x38;
	[tilespmem:$0x1A200] =	vst v63  }
0x98: {  	s19 =	rddreg [dreg:$0x12]  }
0x99: {  	[tilespmem:s29], [sflag:$0x2] =	stream.linear.gather [hbm4b:s19+s17], $0x190, $0x38;
	[tilespmem:$0x1A200] =	vst v63  }
0x9a: {  	s28 =	rddreg [dreg:$0x13]  }
0x9b: {  	[tilespmem:s30], [sflag:$0x2] =	stream.linear.gather [hbm4b:s28+s17], $0x190, $0x38;
	[tilespmem:$0x1A200] =	vst v63  }
0x9c: {  	s29 =	rddreg [dreg:$0x14];
	s30 =	simm.s32 $0xC00  }
0x9d: {  	[tilespmem:s30], [sflag:$0x2] =	stream.linear.gather [hbm4b:s29+s17], $0x190, $0x38;
	[tilespmem:$0x1A200] =	vst v63  }
.LBB2_6:
0x9e: {  	_ =	swait.ge [sflag:s9], $0x190  }
0x9f: {  	[sflag:s9] =	ssyncset.done $0x0  }
0xa0: {  	[sflag:s9] =	ssyncadd.s32 $0xFFFFFE70  }
0xa1: {  	_ =	swait.ge [sflag:s9], $0x190  }
0xa2: {  	[sflag:s9] =	ssyncset.done $0x0  }
0xa3: {  	[sflag:s9] =	ssyncadd.s32 $0xFFFFFE70  }
0xa4: {  	_ =	swait.ge [sflag:s9], $0x190  }
0xa5: {  	[sflag:s9] =	ssyncset.done $0x0  }
0xa6: {  	s28 =	simm.s32 $0x0;
	[sflag:s9] =	ssyncadd.s32 $0xFFFFFE70  }
0xa7: {  	v0 =	vld [tilespmem:s28+$0x0]  }
0xa8: {  	v1 =	vld [tilespmem:s28+$0x200];
	_ =	sdelay $0x2  }
0xa9: {  	s18 =	simm.s32 $0x40;
	v2 =	vld [tilespmem:s28+$0x400]  }
.LBB2_7:
0xaa: {  	s29 =	sshra.s32 s18, $0x2;
	p1 =	sne.s32 s18, $0x600  }
.Ltmp2:
0xab: {  	s18 =	sadd.s32 $0x40, s18;
	v3 =	vmul.u32 $0x15, v0;
	v0 =	vld [tilespmem:s29+$0x0];
	v4 =	vmul.u32 $0x7, v1;
	(pc) =	sbr.rel @p1 .LBB2_7-.Ltmp2, $4  }
0xac: {  	v1 =	vld [tilespmem:s29+$0x200]  }
0xad: {  	v3 =	vadd.s32 v3, v4  }
0xae: {  	v3 =	vadd.s32 v2, v3  }
0xaf: {  	v2 =	vld [tilespmem:s29+$0x400];
	[tilespmem:s28+$0x600] =	vst v3;
	s28 =	smov.u32 s29  }
0xb0: {  	_ = 	snop  }
0xb1: {  	v0 =	vmul.u32 $0x15, v0;
	v1 =	vmul.u32 $0x7, v1;
	_ =	sdelay $0x1  }
0xb2: {  	v0 =	vadd.s32 v0, v1  }
0xb3: {  	v0 =	vadd.s32 v2, v0  }
0xb4: {  	[tilespmem:s28+$0x600] =	vst v0  }
0xb5: {  	_ =	swait.ge [sflag:s26], $0xC800  }
0xb6: {  	[sflag:s26] =	ssyncset.done $0x0  }
0xb7: {  	s4 =	simm.s32 $0x600;
	[sflag:s26] =	ssyncadd.s32 $0xFFFF3800  }
0xb8: {  	[tilespmem:s14], [sflag:$0x3] =	stream.indirect.gather [spmem:s5], $0x80, s4, s10, $0xb8;
	[tilespmem:$0x1A200] =	vst v63  }
0xb9: {  	s19 =	simm.s32 $0x650;
	s18 =	simm.s32 $0x3800  }
0xba: {  	[tilespmem:s18], [sflag:$0x3] =	stream.indirect.gather [spmem:s5], $0x80, s19, s10, $0xb8;
	[tilespmem:$0x1A200] =	vst v63  }
0xbb: {  	s18 =	simm.s32 $0x6A0;
	s19 =	simm.s32 $0x6000  }
0xbc: {  	[tilespmem:s19], [sflag:$0x3] =	stream.indirect.gather [spmem:s5], $0x80, s18, s10, $0xb8;
	[tilespmem:$0x1A200] =	vst v63  }
0xbd: {  	s18 =	simm.s32 $0x6F0  }
0xbe: {  	[tilespmem:s20], [sflag:$0x3] =	stream.indirect.gather [spmem:s5], $0x80, s18, s10, $0xb8;
	[tilespmem:$0x1A200] =	vst v63  }
0xbf: {  	_ = 	snop  }
0xc0: {  	[tilespmem:s23], [sflag:$0x3] =	stream.indirect.gather [spmem:s5], $0x80, s21, s10, $0xb8;
	[tilespmem:$0x1A200] =	vst v63  }
0xc1: {  	_ =	swait.ge [sflag:s31], $0x2800  }
0xc2: {  	[sflag:s31] =	ssyncset.done $0x0  }
0xc3: {  	[sflag:s31] =	ssyncadd.s32 $0xFFFFD800  }
0xc4: {  	_ =	swait.ge [sflag:s31], $0x2800  }
0xc5: {  	[sflag:s31] =	ssyncset.done $0x0  }
0xc6: {  	[sflag:s31] =	ssyncadd.s32 $0xFFFFD800  }
0xc7: {  	_ =	swait.ge [sflag:s31], $0x2800  }
0xc8: {  	[sflag:s31] =	ssyncset.done $0x0  }
0xc9: {  	[sflag:s31] =	ssyncadd.s32 $0xFFFFD800  }
0xca: {  	s28 =	sadd.s32 $0x1, s17;
	_ =	swait.ge [sflag:s31], $0x2800  }
0xcb: {  	s29 =	smul.u32 $0x320, s28;
	[sflag:s31] =	ssyncset.done $0x0  }
0xcc: {  	[sflag:s31] =	ssyncadd.s32 $0xFFFFD800  }
0xcd: {  	s19 =	sadd.s32 s7, s29;
	_ =	swait.ge [sflag:s31], $0x2800  }
0xce: {  	s30 =	simm.s32 $0x0;
	s18 =	sshll.u32 s19, $0x4;
	[sflag:s31] =	ssyncset.done $0x0  }
0xcf: {  	s4 =	sadd.s32 s29, s13;
	s18 =	sadd.s32 s8, s18;
	[sflag:s31] =	ssyncadd.s32 $0xFFFFD800  }
0xd0: {  	[hbm4b:s18+s30] =	stream.linear.scatter [tilespmem:s14], [sflag:$0x5], $0xC800, $0x38;
	[tilespmem:$0x1A200] =	vst v63  }
0xd1: {  	s18 =	sshrl.u32 s4, $0x3  }
0xd2: {  	s19 =	sadd.s32 s0, s18  }
0xd3: {  	[tilespmem:s30], [sflag:$0x1] =	stream.linear.gather [hbm4b:s19+s30], $0x190, $0x38;
	[tilespmem:$0x1A200] =	vst v63  }
0xd4: {  	s4 =	simm.s32 $0x200;
	s19 =	sadd.s32 s1, s18  }
0xd5: {  	[tilespmem:s4], [sflag:$0x1] =	stream.linear.gather [hbm4b:s19+s30], $0x190, $0x38;
	[tilespmem:$0x1A200] =	vst v63  }
0xd6: {  	s18 =	sadd.s32 s2, s18;
	s19 =	simm.s32 $0x400  }
0xd7: {  	[tilespmem:s19], [sflag:$0x1] =	stream.linear.gather [hbm4b:s18+s30], $0x190, $0x38;
	[tilespmem:$0x1A200] =	vst v63  }
0xd8: {  	_ =	swait.ge [sflag:s24], $0x190  }
0xd9: {  	[sflag:s24] =	ssyncset.done $0x0  }
0xda: {  	[sflag:s24] =	ssyncadd.s32 $0xFFFFFE70  }
0xdb: {  	_ =	swait.ge [sflag:s24], $0x190  }
0xdc: {  	[sflag:s24] =	ssyncset.done $0x0  }
0xdd: {  	[sflag:s24] =	ssyncadd.s32 $0xFFFFFE70  }
0xde: {  	_ =	swait.ge [sflag:s24], $0x190  }
0xdf: {  	[sflag:s24] =	ssyncset.done $0x0  }
0xe0: {  	s18 =	simm.s32 $0x0;
	[sflag:s24] =	ssyncadd.s32 $0xFFFFFE70  }
0xe1: {  	v0 =	vld [tilespmem:s18+$0x800]  }
0xe2: {  	v1 =	vld [tilespmem:s18+$0xA00];
	_ =	sdelay $0x2  }
0xe3: {  	s30 =	simm.s32 $0x40;
	v2 =	vld [tilespmem:s18+$0xC00]  }
.LBB2_9:
0xe4: {  	s19 =	sshra.s32 s30, $0x2;
	p1 =	sne.s32 s30, $0x600  }
.Ltmp3:
0xe5: {  	s30 =	sadd.s32 $0x40, s30;
	v3 =	vmul.u32 $0x15, v0;
	v0 =	vld [tilespmem:s19+$0x800];
	v4 =	vmul.u32 $0x7, v1;
	(pc) =	sbr.rel @p1 .LBB2_9-.Ltmp3, $4  }
0xe6: {  	v1 =	vld [tilespmem:s19+$0xA00]  }
0xe7: {  	v3 =	vadd.s32 v3, v4  }
0xe8: {  	v3 =	vadd.s32 v2, v3  }
0xe9: {  	v2 =	vld [tilespmem:s19+$0xC00];
	[tilespmem:s18+$0xE00] =	vst v3;
	s18 =	smov.u32 s19  }
0xea: {  	_ = 	snop  }
0xeb: {  	v0 =	vmul.u32 $0x15, v0;
	v1 =	vmul.u32 $0x7, v1;
	_ =	sdelay $0x1  }
0xec: {  	v0 =	vadd.s32 v0, v1  }
0xed: {  	v0 =	vadd.s32 v2, v0  }
0xee: {  	[tilespmem:s18+$0xE00] =	vst v0  }
0xef: {  	_ =	swait.ge [sflag:s16], $0xC800  }
0xf0: {  	[sflag:s16] =	ssyncset.done $0x0  }
0xf1: {  	s4 =	simm.s32 $0xE00;
	[sflag:s16] =	ssyncadd.s32 $0xFFFF3800  }
0xf2: {  	[tilespmem:s25], [sflag:$0x4] =	stream.indirect.gather [spmem:s5], $0x80, s4, s10, $0xb8;
	[tilespmem:$0x1A200] =	vst v63  }
0xf3: {  	s19 =	simm.s32 $0xE50;
	s30 =	simm.s32 $0x10000  }
0xf4: {  	[tilespmem:s30], [sflag:$0x4] =	stream.indirect.gather [spmem:s5], $0x80, s19, s10, $0xb8;
	[tilespmem:$0x1A200] =	vst v63  }
0xf5: {  	s19 =	simm.s32 $0xEA0;
	s30 =	simm.s32 $0x12800  }
0xf6: {  	[tilespmem:s30], [sflag:$0x4] =	stream.indirect.gather [spmem:s5], $0x80, s19, s10, $0xb8;
	[tilespmem:$0x1A200] =	vst v63  }
0xf7: {  	s18 =	simm.s32 $0xEF0;
	s19 =	simm.s32 $0x15000  }
0xf8: {  	[tilespmem:s19], [sflag:$0x4] =	stream.indirect.gather [spmem:s5], $0x80, s18, s10, $0xb8;
	[tilespmem:$0x1A200] =	vst v63  }
0xf9: {  	_ = 	snop  }
0xfa: {  	[tilespmem:s3], [sflag:$0x4] =	stream.indirect.gather [spmem:s5], $0x80, s11, s10, $0xb8;
	[tilespmem:$0x1A200] =	vst v63  }
0xfb: {  	_ =	swait.ge [sflag:s15], $0x2800  }
0xfc: {  	[sflag:s15] =	ssyncset.done $0x0  }
0xfd: {  	[sflag:s15] =	ssyncadd.s32 $0xFFFFD800  }
0xfe: {  	_ =	swait.ge [sflag:s15], $0x2800  }
0xff: {  	[sflag:s15] =	ssyncset.done $0x0  }
0x100: {  	[sflag:s15] =	ssyncadd.s32 $0xFFFFD800  }
0x101: {  	_ =	swait.ge [sflag:s15], $0x2800  }
0x102: {  	[sflag:s15] =	ssyncset.done $0x0  }
0x103: {  	[sflag:s15] =	ssyncadd.s32 $0xFFFFD800  }
0x104: {  	_ =	swait.ge [sflag:s15], $0x2800  }
0x105: {  	[sflag:s15] =	ssyncset.done $0x0  }
0x106: {  	[sflag:s15] =	ssyncadd.s32 $0xFFFFD800  }
0x107: {  	p1 =	seq.s32 s17, $0x3C;
	s30 =	sadd.s32 s29, s12;
	_ =	swait.ge [sflag:s15], $0x2800  }
0x108: {  	s17 =	sadd.s32 @!p1 s29, s22;
	s18 =	sshll.u32 s30, $0x4;
	[sflag:s15] =	ssyncset.done $0x0  }
0x109: {  	s17 =	sshrl.u32 @!p1 s17, $0x3;
	s18 =	sadd.s32 s8, s18;
	[sflag:s15] =	ssyncadd.s32 $0xFFFFD800  }
0x10a: {  	[hbm4b:s18+s6] =	stream.linear.scatter [tilespmem:s25], [sflag:$0x6], $0xC800, $0x38;
	[tilespmem:$0x1A200] =	vst v63  }
0x10b: {  	s29 =	simm.s32 @!p1 $0x800;
	s19 =	simm.s32 @!p1 $0x0;
	s18 =	sadd.s32 @!p1 s0, s17  }
0x10c: {  	[tilespmem:s29], [sflag:$0x2] =	stream.linear.gather @!p1 [hbm4b:s18+s19], $0x190, $0x38;
	[tilespmem:$0x1A200] =	vst v63  }
0x10d: {  	s18 =	sadd.s32 @!p1 s1, s17;
	s29 =	simm.s32 @!p1 $0xA00  }
0x10e: {  	[tilespmem:s29], [sflag:$0x2] =	stream.linear.gather @!p1 [hbm4b:s18+s19], $0x190, $0x38;
	[tilespmem:$0x1A200] =	vst v63  }
0x10f: {  	p2 =	sne.s32 @!p1 s28, $0x3D;
	s17 =	sadd.s32 @!p1 s2, s17;
	s18 =	simm.s32 @!p1 $0xC00  }
0x110: {  	[tilespmem:s18], [sflag:$0x2] =	stream.linear.gather @!p1 [hbm4b:s17+s19], $0x190, $0x38;
	[tilespmem:$0x1A200] =	vst v63  }
0x111: {  	p1 =	por p1, !p2  }
.Ltmp4:
0x112: {  	_ = 	snop;
	(pc) =	sbr.rel @!p1 .LBB2_6-.Ltmp4, $2  }
0x113: {  	_ =	sdelay $0x2  }
0x114: {  	s17 =	smov.u32 s28  }
0x115: {  	_ =	swait.ge [sflag:s9], $0x190  }
0x116: {  	[sflag:s9] =	ssyncset.done $0x0  }
0x117: {  	[sflag:s9] =	ssyncadd.s32 $0xFFFFFE70  }
0x118: {  	_ =	swait.ge [sflag:s9], $0x190  }
0x119: {  	[sflag:s9] =	ssyncset.done $0x0  }
0x11a: {  	[sflag:s9] =	ssyncadd.s32 $0xFFFFFE70  }
0x11b: {  	_ =	swait.ge [sflag:s9], $0x190  }
0x11c: {  	[sflag:s9] =	ssyncset.done $0x0  }
0x11d: {  	s17 =	simm.s32 $0x0;
	[sflag:s9] =	ssyncadd.s32 $0xFFFFFE70  }
0x11e: {  	v0 =	vld [tilespmem:s17+$0x0]  }
0x11f: {  	v1 =	vld [tilespmem:s17+$0x200];
	_ =	sdelay $0x2  }
0x120: {  	s18 =	simm.s32 $0x40;
	v2 =	vld [tilespmem:s17+$0x400]  }
.LBB2_12:
0x121: {  	s19 =	sshra.s32 s18, $0x2;
	p1 =	sne.s32 s18, $0x600  }
.Ltmp5:
0x122: {  	s18 =	sadd.s32 $0x40, s18;
	v3 =	vmul.u32 $0x15, v0;
	v0 =	vld [tilespmem:s19+$0x0];
	v4 =	vmul.u32 $0x7, v1;
	(pc) =	sbr.rel @p1 .LBB2_12-.Ltmp5, $4  }
0x123: {  	v1 =	vld [tilespmem:s19+$0x200]  }
0x124: {  	v3 =	vadd.s32 v3, v4  }
0x125: {  	v3 =	vadd.s32 v2, v3  }
0x126: {  	v2 =	vld [tilespmem:s19+$0x400];
	[tilespmem:s17+$0x600] =	vst v3;
	s17 =	smov.u32 s19  }
0x127: {  	_ = 	snop  }
0x128: {  	v0 =	vmul.u32 $0x15, v0;
	v1 =	vmul.u32 $0x7, v1;
	_ =	sdelay $0x1  }
0x129: {  	v0 =	vadd.s32 v0, v1  }
0x12a: {  	v0 =	vadd.s32 v2, v0  }
0x12b: {  	[tilespmem:s17+$0x600] =	vst v0  }
0x12c: {  	_ =	swait.ge [sflag:s26], $0xC800  }
0x12d: {  	[sflag:s26] =	ssyncset.done $0x0  }
0x12e: {  	s4 =	simm.s32 $0x600;
	[sflag:s26] =	ssyncadd.s32 $0xFFFF3800  }
0x12f: {  	[tilespmem:s14], [sflag:$0x3] =	stream.indirect.gather [spmem:s5], $0x80, s4, s10, $0xb8;
	[tilespmem:$0x1A200] =	vst v63  }
0x130: {  	s18 =	simm.s32 $0x3800;
	s17 =	simm.s32 $0x650  }
0x131: {  	[tilespmem:s18], [sflag:$0x3] =	stream.indirect.gather [spmem:s5], $0x80, s17, s10, $0xb8;
	[tilespmem:$0x1A200] =	vst v63  }
0x132: {  	s19 =	simm.s32 $0x6A0;
	s28 =	simm.s32 $0x6000  }
0x133: {  	[tilespmem:s28], [sflag:$0x3] =	stream.indirect.gather [spmem:s5], $0x80, s19, s10, $0xb8;
	[tilespmem:$0x1A200] =	vst v63  }
0x134: {  	s17 =	simm.s32 $0x6F0  }
0x135: {  	[tilespmem:s20], [sflag:$0x3] =	stream.indirect.gather [spmem:s5], $0x80, s17, s10, $0xb8;
	[tilespmem:$0x1A200] =	vst v63  }
0x136: {  	_ = 	snop  }
0x137: {  	[tilespmem:s23], [sflag:$0x3] =	stream.indirect.gather [spmem:s5], $0x80, s21, s10, $0xb8;
	[tilespmem:$0x1A200] =	vst v63  }
0x138: {  	_ =	swait.ge [sflag:s31], $0x2800  }
0x139: {  	[sflag:s31] =	ssyncset.done $0x0  }
0x13a: {  	[sflag:s31] =	ssyncadd.s32 $0xFFFFD800  }
0x13b: {  	_ =	swait.ge [sflag:s31], $0x2800  }
0x13c: {  	[sflag:s31] =	ssyncset.done $0x0  }
0x13d: {  	[sflag:s31] =	ssyncadd.s32 $0xFFFFD800  }
0x13e: {  	_ =	swait.ge [sflag:s31], $0x2800  }
0x13f: {  	[sflag:s31] =	ssyncset.done $0x0  }
0x140: {  	[sflag:s31] =	ssyncadd.s32 $0xFFFFD800  }
0x141: {  	_ =	swait.ge [sflag:s31], $0x2800  }
0x142: {  	[sflag:s31] =	ssyncset.done $0x0  }
0x143: {  	[sflag:s31] =	ssyncadd.s32 $0xFFFFD800  }
0x144: {  	_ =	swait.ge [sflag:s31], $0x2800  }
0x145: {  	[sflag:s31] =	ssyncset.done $0x0  }
0x146: {  	s18 =	rddreg [dreg:$0x15];
	[sflag:s31] =	ssyncadd.s32 $0xFFFFD800  }
0x147: {  	[hbm4b:s18+s6] =	stream.linear.scatter [tilespmem:s14], [sflag:$0x5], $0xC800, $0x38;
	[tilespmem:$0x1A200] =	vst v63  }
0x148: {  	_ =	swait.ge [sflag:s16], $0xC800  }
0x149: {  	[sflag:s16] =	ssyncset.done $0x0  }
0x14a: {  	[sflag:s16] =	ssyncadd.s32 $0xFFFF3800  }
0x14b: {  	_ =	swait.ge [sflag:s26], $0xC800  }
0x14c: {  	s19 =	rddreg [dreg:$0x17]  }
0x14d: {  	s28 =	rddreg [dreg:$0x16];
	s4 =	sadd.s32 $0x1, s19  }
0x14e: {  	p1 =	sne.s32 s4, s28  }
.Ltmp6:
0x14f: {  	_ = 	snop;
	(pc) =	sbr.rel @p1 .LBB2_1-.Ltmp6, $3  }
0x150: {  	_ =	sdelay $0x1  }
0x151: {  	[sflag:s26] =	ssyncset.done $0x0  }
0x152: {  	s29 =	simm.s32 $0x800;
	s30 =	simm.s32 $0xA00;
	[sflag:s26] =	ssyncadd.s32 $0xFFFF3800  }
0x153: {  	_ =	sfence.sel $0x180000  }
0x154: {  	[bflag:$0x0] =	sbarrier.arrive $0xFFFF  }
0x155: {  	_ =	strace $0x90000047  }
0x156: {  	[bflag:$0x2] =	sbarrier.arrive $0xFFFF  }
0x157: {  	s0 =	rddreg [dreg:$0x6]  }
0x158: {  	s0 =	sadd.s32 @!p0 $0x100000, s0  }
0x159: {  	[sflag:s0] =	ssyncadd.tile.s32 @!p0 $0x1;
	_ =	shalt  }
.Lfunc_end2:
_tile_overlayer_lowered:
.L_overlay_start_2:
0x15a: {  	(tag) =	ssettag $0x2  }
0x15b: {  	s0 =	rddreg [dreg:$0x0];
	s2 =	stileid.u32  }
0x15c: {  	s1 =	rddreg [dreg:$0x1];
	p0 =	sne.s32 s2, $0x0  }
0x15d: {  	s3 =	rddreg [dreg:$0x2];
	[bflag:$0x3] =	sbarrier.arrive $0xFFFF;
	s2 =	simm.s32 @!p0 $0x1C07  }
0x15e: {  	[timem:s3], [sflag:s2] =	dma.local @!p0 [hbm:s0], s1  }
0x15f: {  	s0 =	simm.s32 @!p0 $0x7  }
0x160: {  	_ =	swait.ge @!p0 [sflag:s0], s1  }
0x161: {  	s1 =	ssub.s32 @!p0 $0x0, s1;
	[sflag:s0] =	ssyncset.done @!p0 $0x0  }
0x162: {  	[sflag:s0] =	ssyncadd.s32 @!p0 s1  }
0x163: {  	[bflag:$0x3] =	sbarrier.arrive $0xFFFF  }
0x164: {  	_ =	shalt  }

// kernel: sparse-core-data-format-call.cloned.1.call-start
scs
called_computation_lowered:
.L_overlay_start_0:
0x0: {  	s2 =	sld [smem:$0x3FD9]  }
0x1: {  	s3 =	sld [smem:$0x3FFE];
	_ =	sdelay $0x1  }
0x2: {  	s1 =	srdreg.scid  }
0x3: {  	s0 =	sand.u32 $0x1, s1  }
0x4: {  	s18 =	sshll.u32 s0, $0xA;
	s2 =	sadd.s32 s3, s2  }
0x5: {  	s2 =	sadd.s32 s2, s18  }
0x6: {  	[smem:$0x3FC2] =	sst s2  }
0x7: {  	_ = 	snop  }
0x8: {  	s2 =	sld [smem:$0x3FD0];
	(tm) =	ssettm $0x1  }
0x9: {  	s19 =	sld [smem:$0x3FFB];
	_ =	sdelay $0x3  }
0xa: {  	_ =	strace s19  }
0xb: {  	s3 =	sld [smem:$0x3FFC];
	_ =	sdelay $0x3  }
0xc: {  	_ =	strace s3  }
0xd: {  	s3 =	sld [smem:$0x3FFD];
	_ =	sdelay $0x3  }
0xe: {  	_ =	strace s3  }
0xf: {  	_ =	strace $0x8FFFFFFF  }
0x10: {  	s20 =	sld [smem:$0x3FDB];
	_ =	sdelay $0x1  }
0x11: {  	s4 =	simm.s32 $_scs_section_size  }
0x12: {  	s5 =	simm.s32 $_size__tile_overlayer_lowered;
	s6 =	simm.s32 $_tile_overlayer_lowered  }
0x13: {  	s23 =	simm.s32 $0x1BFF;
	s22 =	sshll.u32 s6, $0x1;
	s3 =	sadd.s32 s4, s20  }
0x14: {  	s7 =	simm.s32 $0x0;
	s21 =	sshll.u32 s5, $0x1;
	s5 =	sadd.s32 s22, s3  }
0x15: {  	[timem:s7], [sflag:s23] =	dma.local [hbm:s5], s21  }
0x16: {  	_ =	swait.ge [sflag:s23], s21  }
0x17: {  	s4 =	ssub.s32 $0x0, s21;
	[sflag:s23] =	ssyncset.done $0x0  }
0x18: {  	[sflag:s23] =	ssyncadd.s32 s4;
	_ =	sdelay $0x1  }
0x19: {  	s24 =	simm.s32 $0x1B8B  }
0x1a: {  	_ =	swait.ge [sflag:s24], $0x1  }
0x1b: {  	[sflag:s24] =	ssyncset.done $0x0  }
0x1c: {  	s26 =	simm.s32 $0x1B8E;
	s25 =	sld [smem:$0x3FFE];
	[sflag:s24] =	ssyncadd.s32 $0xFFFFFFFF  }
0x1d: {  	s27 =	simm.s32 $execute0_lowered;
	[smem:$0x3FD2] =	sst s26  }
0x1e: {  	s5 =	sshll.u32 s27, $0x1;
	_ =	strace $0x80000049;
	[dreg:$0x1] =	wrdreg $0xFFFFFFFF  }
0x1f: {  	s28 =	simm.s32 $_size_execute0_lowered;
	s3 =	sadd.s32 s3, s5;
	[dreg:$0x0] =	wrdreg $0x0  }
0x20: {  	s5 =	sshll.u32 s28, $0x1;
	[dreg:$0x2] =	wrdreg s3  }
0x21: {  	[dreg:$0x3] =	wrdreg s5  }
0x22: {  	[dreg:$0x4] =	wrdreg $0xC0  }
0x23: {  	_ =	task [dreg:s7], $0x5FFFF  }
0x24: {  	[dreg:$0x1] =	wrdreg $0xFFFFFFFF  }
0x25: {  	[dreg:$0x0] =	wrdreg $0x60  }
0x26: {  	[dreg:$0x2] =	wrdreg s25  }
0x27: {  	[dreg:$0x3] =	wrdreg s2  }
0x28: {  	[dreg:$0x4] =	wrdreg $0x9  }
0x29: {  	_ =	task.clear_ibuf [dreg:s7], $0x5FFFF;
	_ =	strace $0x90000049  }
0x2a: {  	s29 =	simm.s32 $0x9;
	_ =	strace $0x8000004B  }
0x2b: {  	_ =	swait.ge [sflag:s29], $0x1  }
0x2c: {  	[sflag:s29] =	ssyncadd.s32 $0xFFFFFFFF  }
0x2d: {  	_ =	strace $0x9000004B  }
0x2e: {  	_ =	sfence  }
0x2f: {  	s30 =	sld [smem:$0x0];
	_ =	sdelay $0x2  }
0x30: {  	s31 =	sshll.u32 s1, $0xD;
	s1 =	sshrl.u32 s1, $0x2  }
0x31: {  	s3 =	sand.u32 $0x4000, s31;
	s1 =	sadd.s32 s1, s30  }
0x32: {  	s0 =	sor.u32 s3, s0;
	s1 =	sshll.u32 s1, $0x11  }
0x33: {  	s0 =	sor.u32 s1, s0  }
0x34: {  	s0 =	sadd.s32 $0x8F2B, s0  }
0x35: {  	[sflag:s0] =	ssyncadd.remote.s32 $0x1  }
0x36: {  	_ =	sfence.sel $0xFFFF  }
0x37: {  	[dreg:$0x0] =	wrdreg $0xFFFFFFFF;
	(pc) =	sbr.abs _section_cstart, $3  }
0x38: {  	[dreg:$0x1] =	wrdreg $0xFFFFFFFF  }
0x39: {  	_ =	task.clear_ibuf [dreg:s7], $0x2FFFF;
	_ =	strace $0x9FFFFFFF  }
0x3a: {  	(tm) =	ssettm $0x7FFFFFFF  }
0x3b: {  	_ =	shalt  }
tec
execute0_lowered:
.L_overlay_start_1:
0x0: {  	(tag) =	ssettag $0x1  }
0x1: {  	s0 =	srdreg.scid  }
0x2: {  	s5 =	rddreg [dreg:$0x0];
	s1 =	sshll.u32 s0, $0x4  }
0x3: {  	s2 =	rddreg [dreg:$0x1];
	s0 =	stileid.u32;
	s1 =	sand.u32 $0x10, s1  }
0x4: {  	s4 =	simm.s32 $0x1;
	s8 =	simm.s32 $0x2;
	s1 =	sor.u32 s0, s1  }
0x5: {  	s12 =	simm.s32 $0x0;
	s9 =	simm.s32 $0x0;
	s3 =	sshll.u32 s1, $0x7  }
0x6: {  	s11 =	simm.s32 $0x0;
	s5 =	sadd.s32 $0x1000, s5;
	s6 =	ssub.s32 $0x186A00, s3  }
.Ltmp0:
0x7: {  	s1 =	rddreg [dreg:$0x2];
	s7 =	sand.u32 $0xF80, s6;
	(pc) =	sbr.rel .LBB1_1-.Ltmp0, $4  }
0x8: {  	_ =	strace $0x8000004A;
	p0 =	sne.s32 s7, $0x0;
	s7 =	simm.s32 $0x1  }
0x9: {  	[sflag:s4] =	ssyncpa.u1 $0x0;
	s6 =	sshrl.u32 s6, $0xC;
	s7 =	simm.s32 @!p0 $0x0  }
0xa: {  	s10 =	smov.u32 s3;
	[sflag:s8] =	ssyncpa.u1 $0x0;
	s6 =	sadd.s32 s7, s6  }
0xb: {  	s8 =	simm.s32 $0xC35000;
	p0 =	por $0x0, $0x0;
	s7 =	sadd.s32 $0x1, s6  }
.LBB1_4:
0xc: {  	s18 =	sshll.u32 s9, $0x3  }
0xd: {  	s18 =	sand.u32 $0xFFFFFC00, s18  }
0xe: {  	s19 =	sshrl.u32 s18, $0x9  }
0xf: {  	v5 =	vld [tilespmem:s14+$0xFFFFFFD0];
	s19 =	smulhi.u32 $0xA7C5AD, s19  }
0x10: {  	[tilespmem:s16+$0x2040 ss:$0x81] =	vst.msk $0xffff, v2;
	v58 =	vld [tilespmem:s14+$0xFFFFFFE0]  }
0x11: {  	[tilespmem:s16+$0x2850 ss:$0x81] =	vst.msk $0xffff, v4;
	v59 =	vld [tilespmem:s14+$0xFFFFFFF0];
	s17 =	sshra.s32 s17, $0x2;
	s19 =	sshrl.u32 s19, $0x3  }
0x12: {  	[tilespmem:s16+$0x3060 ss:$0x81] =	vst.msk $0xffff, v3;
	s20 =	sand.u32 $0x7F, s9;
	p1 =	sgt.s32 s9, $0x186980;
	s21 =	smul.u32 $0xAAB, s19  }
0x13: {  	v60 =	vld [tilespmem:s14+$0x0];
	[tilespmem:s16+$0x0 ss:$0x81] =	vst.msk $0xffff, v0;
	s25 =	sshra.s32 s9, $0x1F;
	s15 =	sadd.s32 s17, s15;
	s22 =	sor.u32 s20, s18  }
0x14: {  	v61 =	vld [tilespmem:s14+$0x10];
	[tilespmem:s15+$0x3870 ss:$0x81] =	vst.msk $0xffff, v1;
	s20 =	smov.u32 s9;
	s23 =	smul.u32 $0x186A00, s19;
	s24 =	sshrl.u32 s21, $0x12  }
0x15: {  	v62 =	vld [tilespmem:s14+$0x20];
	s20 =	simm.s32 @!p1 $0x186980;
	[tilespmem:s15+$0x810 ss:$0x81] =	vst.msk $0xffff, v5;
	s21 =	sand.u32 s25, s9;
	s18 =	smul.u32 $0x60, s24  }
0x16: {  	v63 =	vld [tilespmem:s14+$0xFFFFFFC0];
	[tilespmem:s15+$0x1020 ss:$0x81] =	vst.msk $0xffff, v58;
	s26 =	ssub.s32 s22, s23;
	s27 =	ssub.s32 s20, s21  }
0x17: {  	[tilespmem:s15+$0x1830 ss:$0x81] =	vst.msk $0xffff, v59;
	s30 =	sshrl.u32 s26, $0x3;
	s16 =	ssub.s32 $0x186A00, s27;
	s28 =	ssub.s32 s19, s18  }
0x18: {  	[tilespmem:s15+$0x2040 ss:$0x81] =	vst.msk $0xffff, v60;
	s14 =	sand.u32 $0x7, s26;
	s16 =	smul.u32 $0x180, s16;
	s17 =	sand.u32 $0xFFFF, s28  }
0x19: {  	[tilespmem:s15+$0x2850 ss:$0x81] =	vst.msk $0xffff, v61;
	s29 =	sadd.s32 $0xFFE79680, s27;
	s14 =	sshll.u32 s14, $0x12;
	s17 =	smul.u32 $0x30D40, s17  }
0x1a: {  	[tilespmem:s15+$0x3060 ss:$0x81] =	vst.msk $0xffff, v62;
	p1 =	sgt.s32 s29, $0x7F;
	s18 =	sadd.s32 s2, s30;
	s16 =	sshrl.u32 s16, $0x2  }
0x1b: {  	[tilespmem:s15+$0x0 ss:$0x81] =	vst.msk $0xffff, v63;
	s14 =	sor.u32 $0x400, s14;
	s16 =	simm.s32 @p1 $0x0;
	s31 =	sadd.s32 s17, s18  }
0x1c: {  	[hbm4b:s31+s14] =	stream.strided.scatter [tilespmem:s13], [sflag:$0x2], s16, s8, s14, $0x20;
	[tilespmem:$0x10100] =	vst v63  }
.LBB1_5:
0x1d: {  	p1 =	slt.u32 s11, $0x2  }
0x1e: {  	p2 =	sgt.s32 @!p1 s12, $0x186980  }
0x1f: {  	s13 =	smov.u32 s12;
	s14 =	sshra.s32 @!p1 s12, $0x1F;
	p2 =	por !p2, p1  }
0x20: {  	s12 =	sand.u32 @!p1 s14, s12;
	s13 =	simm.s32 @p2 $0x186980  }
0x21: {  	s12 =	ssub.s32 @!p1 s13, s12  }
0x22: {  	s13 =	ssub.s32 @!p1 $0x186A00, s12  }
0x23: {  	s12 =	sadd.s32 @!p1 $0xFFE79680, s12;
	s13 =	smul.u32 @!p1 $0x180, s13  }
0x24: {  	p2 =	sgt.s32 @!p1 s12, $0x7F  }
0x25: {  	s14 =	sadd.s32 $0x1000, s10;
	p2 =	por !p2, p1;
	s12 =	sshrl.u32 @!p1 s13, $0x2  }
0x26: {  	s12 =	simm.s32 @!p2 $0x0;
	p2 =	sgt.s32 s14, $0x1869FF  }
0x27: {  	s14 =	smov.u32 @p2 s3;
	p2 =	sne.s32 s11, s7  }
.Ltmp1:
0x28: {  	_ = 	snop;
	(pc) =	sbr.rel @!p2 .LBB1_6-.Ltmp1, $4  }
0x29: {  	s13 =	simm.s32 @!p1 $0x2  }
0x2a: {  	p0 =	por !p0, !p0;
	_ =	swait.ge @!p1 [sflag:s13], s12;
	s15 =	ssub.s32 @!p1 $0x0, s12  }
0x2b: {  	s12 =	smov.u32 s9;
	s11 =	sadd.s32 $0x1, s11;
	[sflag:s13] =	ssyncset.done @!p1 $0x0  }
0x2c: {  	s9 =	smov.u32 s10;
	s10 =	smov.u32 s14;
	[sflag:s13] =	ssyncadd.s32 @!p1 s15  }
.LBB1_1:
0x2d: {  	p1 =	sge.u32 s11, s6  }
0x2e: {  	s13 =	sand.u32 @!p1 $0x1FFFFFF, s10  }
0x2f: {  	s14 =	smulhi.u32 @!p1 $0x14F8B59, s13;
	_ =	sdelay $0x1  }
0x30: {  	s14 =	sshrl.u32 @!p1 s14, $0xD  }
0x31: {  	s14 =	smul.u32 @!p1 $0x186A00, s14;
	_ =	sdelay $0x1  }
0x32: {  	s15 =	sxor.u32 @!p1 $0xFFFFFFFF, s11;
	s13 =	ssub.s32 @!p1 s13, s14  }
0x33: {  	s31 =	sadd.s32 $0xFFFFFFFF, s11;
	s14 =	sshll.u32 @!p1 s15, $0xE;
	s13 =	sshll.u32 @!p1 s13, $0x4  }
0x34: {  	s15 =	simm.s32 @!p1 $0x0;
	s14 =	sand.u32 @!p1 $0x4000, s14;
	s13 =	sadd.s32 @!p1 s5, s13  }
0x35: {  	[tilespmem:s14], [sflag:$0x1] =	stream.linear.gather @!p1 [hbm4b:s13+s15], $0x4000, $0x38;
	[tilespmem:$0x10100] =	vst v63  }
0x36: {  	p1 =	sge.u32 s31, s6  }
.Ltmp2:
0x37: {  	_ = 	snop;
	(pc) =	sbr.rel @p1 .LBB1_5-.Ltmp2, $1  }
0x38: {  	_ =	sdelay $0x3  }
0x39: {  	s13 =	simm.s32 $0x1  }
0x3a: {  	_ =	swait.ge [sflag:s4], $0x4000;
	s13 =	simm.s32 @!p0 $0x0  }
0x3b: {  	[sflag:s4] =	ssyncset.done $0x0;
	s14 =	sshll.u32 s13, $0xE  }
0x3c: {  	[sflag:s4] =	ssyncadd.s32 $0xFFFFC000;
	s14 =	sor.u32 $0x40, s14  }
0x3d: {  	s13 =	smul.u32 $0x10200, s13;
	v0 =	vld [tilespmem:s14+$0x30]  }
0x3e: {  	v1 =	vld [tilespmem:s14+$0xFFFFFFD0]  }
0x3f: {  	s13 =	sshrl.u32 s13, $0x2;
	v5 =	vld [tilespmem:s14+$0xFFFFFFE0]  }
0x40: {  	v6 =	vld [tilespmem:s14+$0xFFFFFFF0];
	s15 =	sor.u32 $0x8000, s13  }
0x41: {  	s31 =	sand.u32 $0x1, s11;
	v2 =	vld [tilespmem:s14+$0x0];
	s16 =	sadd.s32 $0x0, s15  }
0x42: {  	v4 =	vld [tilespmem:s14+$0x10];
	s13 =	smul.u32 $0x10200, s31;
	[tilespmem:s16+$0x3870 ss:$0x81] =	vst.msk $0xffff, v0  }
0x43: {  	v3 =	vld [tilespmem:s14+$0x20];
	[tilespmem:s16+$0x810 ss:$0x81] =	vst.msk $0xffff, v1  }
0x44: {  	s13 =	sshrl.u32 s13, $0x2;
	v0 =	vld [tilespmem:s14+$0xFFFFFFC0];
	[tilespmem:s16+$0x1020 ss:$0x81] =	vst.msk $0xffff, v5;
	s14 =	sadd.s32 $0x80, s14  }
0x45: {  	s17 =	simm.s32 $0x4;
	s18 =	simm.s32 $0x8;
	s13 =	sor.u32 $0x8000, s13;
	[tilespmem:s16+$0x1830 ss:$0x81] =	vst.msk $0xffff, v6;
	v1 =	vld [tilespmem:s14+$0x30]  }
.LBB1_3:
0x46: {  	p1 =	sne.s32 s18, $0x1FC;
	v5 =	vld [tilespmem:s14+$0xFFFFFFD0];
	[tilespmem:s16+$0x2040 ss:$0x81] =	vst.msk $0xffff, v2  }
0x47: {  	v6 =	vld [tilespmem:s14+$0xFFFFFFE0];
	[tilespmem:s16+$0x2850 ss:$0x81] =	vst.msk $0xffff, v4  }
0x48: {  	s19 =	sshra.s32 s17, $0x2;
	s17 =	smov.u32 s18;
	v7 =	vld [tilespmem:s14+$0xFFFFFFF0];
	[tilespmem:s16+$0x3060 ss:$0x81] =	vst.msk $0xffff, v3  }
.Ltmp3:
0x49: {  	v2 =	vld [tilespmem:s14+$0x0];
	[tilespmem:s16+$0x0 ss:$0x81] =	vst.msk $0xffff, v0;
	s16 =	sadd.s32 s19, s15;
	(pc) =	sbr.rel @p1 .LBB1_3-.Ltmp3, $4  }
0x4a: {  	v4 =	vld [tilespmem:s14+$0x10];
	[tilespmem:s16+$0x3870 ss:$0x81] =	vst.msk $0xffff, v1  }
0x4b: {  	[tilespmem:s16+$0x810 ss:$0x81] =	vst.msk $0xffff, v5;
	v3 =	vld [tilespmem:s14+$0x20]  }
0x4c: {  	v0 =	vld [tilespmem:s14+$0xFFFFFFC0];
	[tilespmem:s16+$0x1020 ss:$0x81] =	vst.msk $0xffff, v6;
	s14 =	sadd.s32 $0x80, s14  }
0x4d: {  	s18 =	sadd.s32 $0x4, s18;
	v1 =	vld [tilespmem:s14+$0x30];
	[tilespmem:s16+$0x1830 ss:$0x81] =	vst.msk $0xffff, v7  }
.Ltmp4:
0x4e: {  	_ = 	snop;
	(pc) =	sbr.rel .LBB1_4-.Ltmp4, $1  }
0x4f: {  	_ =	sdelay $0x3  }
.LBB1_6:
0x50: {  	_ =	sfence.sel $0x180000  }
0x51: {  	s2 =	simm.s32 $0x1;
	[bflag:$0x0] =	sbarrier.arrive $0xFFFF  }
0x52: {  	s31 =	simm.s32 $0x2;
	[sflag:s2] =	ssyncpa.u1 $0x1  }
0x53: {  	[sflag:s31] =	ssyncpa.u1 $0x1  }
0x54: {  	p0 =	sne.s32 s0, $0x0;
	_ =	strace $0x9000004A  }
0x55: {  	s0 =	sadd.s32 @!p0 $0x100000, s1;
	[bflag:$0x2] =	sbarrier.arrive $0xFFFF  }
0x56: {  	[sflag:s0] =	ssyncadd.tile.s32 @!p0 $0x1;
	_ =	shalt  }
.Lfunc_end1:
_tile_overlayer_lowered:
.L_overlay_start_2:
0x57: {  	(tag) =	ssettag $0x2  }
0x58: {  	s0 =	rddreg [dreg:$0x0];
	s2 =	stileid.u32  }
0x59: {  	s1 =	rddreg [dreg:$0x1];
	p0 =	sne.s32 s2, $0x0  }
0x5a: {  	s3 =	rddreg [dreg:$0x2];
	[bflag:$0x3] =	sbarrier.arrive $0xFFFF;
	s2 =	simm.s32 @!p0 $0x1C01  }
0x5b: {  	[timem:s3], [sflag:s2] =	dma.local @!p0 [hbm:s0], s1  }
0x5c: {  	s0 =	simm.s32 @!p0 $0x1  }
0x5d: {  	_ =	swait.ge @!p0 [sflag:s0], s1  }
0x5e: {  	s1 =	ssub.s32 @!p0 $0x0, s1;
	[sflag:s0] =	ssyncset.done @!p0 $0x0  }
0x5f: {  	[sflag:s0] =	ssyncadd.s32 @!p0 s1  }
0x60: {  	[bflag:$0x3] =	sbarrier.arrive $0xFFFF  }
0x61: {  	_ =	shalt  }

</sc_bundles>
